<compile_context>
chip_gen: v7x
topology: tpu7x:2x2x1
jax: 0.10.2.dev20260603
libtpu: 0.0.44.dev20260713+nightly
codegen_flags: <defaults>
</compile_context>

<pallas_src>
import functools

import jax
import jax.numpy as jnp
from jax import lax
from jax.experimental import pallas as pl
from jax.experimental.pallas import tpu as pltpu
from jax.experimental.pallas import tpu_sc as plsc


_TOK_BLK = 512
_LANES = 128


def _argmin_body(x_ref, cb_ref, idx_ref):
    xb = x_ref[...]
    cb = cb_ref[...]
    cross = lax.dot_general(
        xb, cb, (((1,), (1,)), ((), ())),
        preferred_element_type=jnp.float32)
    x_sq = jnp.sum(xb * xb, axis=1, keepdims=True)
    c_sq = jnp.sum(cb * cb, axis=1)
    d2 = (x_sq + c_sq[None, :]) - 2.0 * cross
    dist = jnp.sqrt(jnp.clip(d2, 0.0, None))
    k = dist.shape[1]
    ng = k // _LANES
    m = dist[:, :_LANES]
    gi = jnp.zeros_like(m)
    for g in range(1, ng):
        d = dist[:, g * _LANES:(g + 1) * _LANES]
        gi = jnp.where(d < m, jnp.float32(g), gi)
        m = jnp.minimum(m, d)
    mmin = jnp.min(m, axis=1, keepdims=True)
    lane = lax.broadcasted_iota(jnp.int32, m.shape, 1).astype(jnp.float32)
    fidx = gi * jnp.float32(_LANES) + lane
    idx_f = jnp.min(jnp.where(m == mmin, fidx, jnp.float32(k)), axis=1)
    idx_ref[0, 0, :] = idx_f.astype(jnp.int32)


def _nearest_indices(x2d, codebook, g0, grid):
    out = pl.pallas_call(
        _argmin_body,
        grid=(grid,),
        in_specs=[
            pl.BlockSpec((_TOK_BLK, x2d.shape[1]),
                         lambda i, g0=g0: (i + g0, 0)),
            pl.BlockSpec(codebook.shape, lambda i: (0, 0)),
        ],
        out_specs=pl.BlockSpec((1, 1, _TOK_BLK), lambda i: (i, 0, 0)),
        out_shape=jax.ShapeDtypeStruct((grid, 1, _TOK_BLK), jnp.int32),
    )(x2d, codebook)
    return out.reshape(grid * _TOK_BLK)


def _make_sc_gather(n_rows, d):
    info = plsc.get_sparse_core_info()
    nc, ns = info.num_cores, info.num_subcores
    nw = nc * ns
    per_w = n_rows // nw
    assert per_w * nw == n_rows and per_w <= 128 and per_w % 8 == 0
    mesh = plsc.VectorSubcoreMesh(core_axis_name="c", subcore_axis_name="s")

    @functools.partial(
        pl.kernel, mesh=mesh,
        out_type=jax.ShapeDtypeStruct((n_rows, d), jnp.float32),
        scratch_types=[
            pltpu.VMEM((per_w,), jnp.int32),
            pltpu.VMEM((per_w, d), jnp.float32),
            pltpu.SemaphoreType.DMA,
            pltpu.SemaphoreType.DMA,
        ],
    )
    def gather(table_hbm, idx_hbm, out_hbm, idx_v, rows_v, gsem, wsem):
        wid = lax.axis_index("s") * nc + lax.axis_index("c")
        pltpu.sync_copy(idx_hbm.at[wid], idx_v)
        g = pltpu.async_copy(table_hbm.at[idx_v], rows_v, gsem)
        g.wait()
        w = pltpu.async_copy(rows_v, out_hbm.at[pl.ds(wid * per_w, per_w)],
                             wsem)
        w.wait()

    return gather


_N_A = 2560
_sc_gather_a = _make_sc_gather(_N_A, 256)
_sc_gather_b = _make_sc_gather(4608 - _N_A, 256)


def kernel(x, codebook, embedding):
    b, t, d = x.shape
    x2d = x.reshape(b * t, d)
    idx_a = _nearest_indices(x2d, codebook, 0, _N_A // _TOK_BLK)
    out_a = _sc_gather_a(embedding, idx_a.reshape(32, -1))
    idx_b = _nearest_indices(x2d, codebook, _N_A // _TOK_BLK,
                             (b * t - _N_A) // _TOK_BLK)
    out_b = _sc_gather_b(embedding, idx_b.reshape(32, -1))
    return jnp.concatenate([out_a, out_b], axis=0).reshape(b, t, d)

# --- scband reference (transcript-rebuilt; emitter-appended) ---
"""Pipeline reference for scband-audio-quantizer-87754771792646 (READ-ONLY COPY).

The authoritative reference and input builder live on the scoring server;
editing this copy changes nothing except your own understanding.
"""

import jax, jax.numpy as jnp
import numpy as np


def setup_inputs(seed: int = 0) -> dict:
    key = jax.random.key(seed)
    k1, k2, k3 = jax.random.split(key, 3)
    x = jax.random.normal(k1, (8, 576, 256), dtype=jnp.float32)
    codebook = jax.random.normal(k2, (1024, 256), dtype=jnp.float32)
    embedding = jax.random.normal(k3, (1024, 256), dtype=jnp.float32)
    return {"x": x, "codebook": codebook, "embedding": embedding}


def reference(x, codebook, embedding):
    # torch.cdist(x, codebook, p=2): pairwise Euclidean distances [B, T, K]
    x_sq = jnp.sum(x * x, axis=-1, keepdims=True)              # [B, T, 1]
    c_sq = jnp.sum(codebook * codebook, axis=-1)               # [K]
    cross = jnp.einsum('btd,kd->btk', x, codebook)             # [B, T, K]
    d2 = x_sq + c_sq[None, None, :] - 2.0 * cross
    distances = jnp.sqrt(jnp.clip(d2, 0.0, None))
    # argmin over codebook entries
    indices = jnp.argmin(distances, axis=-1)                   # int [B, T]
    # nn.Embedding lookup (separate learned table from codebook)
    out = jnp.take(embedding, indices, axis=0)                 # [B, T, d]
    return out

if __name__ == "__main__":
    import jax
    _d = setup_inputs()
    print(jax.jit(kernel)(*tuple(_d.values())))

</pallas_src>

<mosaic_0001>
#map = affine_map<(d0, d1) -> (0, 0)>
module attributes {stable_mosaic.version = 14 : i64} {
  func.func @gather(%arg0: i32, %arg1: i32, %arg2: memref<1024x256xf32, #tpu.memory_space<hbm>>, %arg3: memref<32x64xi32, #tpu.memory_space<hbm>>, %arg4: memref<2048x256xf32, #tpu.memory_space<hbm>>, %arg5: memref<64xi32, #tpu.memory_space<vmem>>, %arg6: memref<64x256xf32, #tpu.memory_space<vmem>>, %arg7: memref<!tpu.dma_semaphore, #tpu.memory_space<semaphore_mem>>, %arg8: memref<!tpu.dma_semaphore, #tpu.memory_space<semaphore_mem>>) attributes {dimension_semantics = [#tpu.dimension_semantics<core_parallel>, #tpu.dimension_semantics<subcore_parallel>], iteration_bounds = array<i64: 2, 16>, scalar_prefetch = 0 : i64, scratch_operands = 4 : i64, tpu.core_type = #tpu.core_type<sc_vector_subcore>, window_params = [{transform_indices = #map}, {transform_indices = #map}, {transform_indices = #map}]} {
    %mul3A = arith.constant 2 : i32
    %mul3A_0 = arith.muli %arg1, %mul3A : i32
    %add3A = arith.addi %mul3A_0, %arg0 : i32
    "tpu.region"() ({
      %run_scoped3A = tpu.sem_alloc : memref<!tpu.dma_semaphore, #tpu.memory_space<semaphore_mem>>
      %dma_start3A_15 = arith.constant 0 : i32
      %dma_start3A_16 = tpu.memref_slice %arg3[%add3A, %dma_start3A_15] : memref<32x64xi32, #tpu.memory_space<hbm>> -> memref<1x64xi32, #tpu.memory_space<hbm>>
      %dma_start3A_17 = tpu.memref_squeeze %dma_start3A_16 : memref<1x64xi32, #tpu.memory_space<hbm>> -> memref<64xi32, #tpu.memory_space<hbm>>
      %dma_start3A_18 = arith.constant 0 : i32
      %dma_start3A_19 = tpu.memref_slice %arg3[%add3A, %dma_start3A_18] : memref<32x64xi32, #tpu.memory_space<hbm>> -> memref<1x64xi32, #tpu.memory_space<hbm>>
      %dma_start3A_20 = tpu.memref_squeeze %dma_start3A_19 : memref<1x64xi32, #tpu.memory_space<hbm>> -> memref<64xi32, #tpu.memory_space<hbm>>
      tpu.enqueue_dma source(%dma_start3A_20 : memref<64xi32, #tpu.memory_space<hbm>>) target(%arg5 : memref<64xi32, #tpu.memory_space<vmem>>) target_semaphore(%run_scoped3A : memref<!tpu.dma_semaphore, #tpu.memory_space<semaphore_mem>>)
      %dma_wait3A_21 = arith.constant 0 : i32
      %dma_wait3A_22 = tpu.memref_slice %arg3[%add3A, %dma_wait3A_21] : memref<32x64xi32, #tpu.memory_space<hbm>> -> memref<1x64xi32, #tpu.memory_space<hbm>>
      %dma_wait3A_23 = tpu.memref_squeeze %dma_wait3A_22 : memref<1x64xi32, #tpu.memory_space<hbm>> -> memref<64xi32, #tpu.memory_space<hbm>>
      %dma_wait3A_24 = arith.constant 0 : i32
      %dma_wait3A_25 = tpu.memref_slice %arg3[%add3A, %dma_wait3A_24] : memref<32x64xi32, #tpu.memory_space<hbm>> -> memref<1x64xi32, #tpu.memory_space<hbm>>
      %dma_wait3A_26 = tpu.memref_squeeze %dma_wait3A_25 : memref<1x64xi32, #tpu.memory_space<hbm>> -> memref<64xi32, #tpu.memory_space<hbm>>
      tpu.wait_dma2 semaphore(%run_scoped3A : memref<!tpu.dma_semaphore, #tpu.memory_space<semaphore_mem>>) src(%dma_wait3A_26 : memref<64xi32, #tpu.memory_space<hbm>>) dst(%arg5 : memref<64xi32, #tpu.memory_space<vmem>>)
      tpu.yield
    }) : () -> ()
    %dma_start3A = arith.constant 0 : i32
    %dma_start3A_1 = arith.constant 0 : i32
    %dma_start3A_2 = tpu.memref_slice %arg2[%dma_start3A, %dma_start3A_1] : memref<1024x256xf32, #tpu.memory_space<hbm>> -> memref<1024x256xf32, #tpu.memory_space<hbm>>
    tpu.enqueue_indirect_dma source(%dma_start3A_2 : memref<1024x256xf32, #tpu.memory_space<hbm>>) target(%arg6 : memref<64x256xf32, #tpu.memory_space<vmem>>) offsets(%arg5 : memref<64xi32, #tpu.memory_space<vmem>>) semaphore(%arg7 : memref<!tpu.dma_semaphore, #tpu.memory_space<semaphore_mem>>)
    %dma_wait3A = arith.constant 0 : i32
    %dma_wait3A_3 = arith.constant 0 : i32
    %dma_wait3A_4 = tpu.memref_slice %arg2[%dma_wait3A, %dma_wait3A_3] : memref<1024x256xf32, #tpu.memory_space<hbm>> -> memref<1024x256xf32, #tpu.memory_space<hbm>>
    tpu.wait_indirect_dma semaphore(%arg7 : memref<!tpu.dma_semaphore, #tpu.memory_space<semaphore_mem>>) src(%dma_wait3A_4 : memref<1024x256xf32, #tpu.memory_space<hbm>>) dst(%arg6 : memref<64x256xf32, #tpu.memory_space<vmem>>)
    %mul3A_5 = arith.constant 64 : i32
    %mul3A_6 = arith.muli %add3A, %mul3A_5 : i32
    %dma_start3A_7 = arith.constant 0 : i32
    %dma_start3A_8 = tpu.memref_slice %arg4[%mul3A_6, %dma_start3A_7] : memref<2048x256xf32, #tpu.memory_space<hbm>> -> memref<64x256xf32, #tpu.memory_space<hbm>>
    %dma_start3A_9 = arith.constant 0 : i32
    %dma_start3A_10 = tpu.memref_slice %arg4[%mul3A_6, %dma_start3A_9] : memref<2048x256xf32, #tpu.memory_space<hbm>> -> memref<64x256xf32, #tpu.memory_space<hbm>>
    tpu.enqueue_dma source(%arg6 : memref<64x256xf32, #tpu.memory_space<vmem>>) target(%dma_start3A_10 : memref<64x256xf32, #tpu.memory_space<hbm>>) target_semaphore(%arg8 : memref<!tpu.dma_semaphore, #tpu.memory_space<semaphore_mem>>)
    %dma_wait3A_11 = arith.constant 0 : i32
    %dma_wait3A_12 = tpu.memref_slice %arg4[%mul3A_6, %dma_wait3A_11] : memref<2048x256xf32, #tpu.memory_space<hbm>> -> memref<64x256xf32, #tpu.memory_space<hbm>>
    %dma_wait3A_13 = arith.constant 0 : i32
    %dma_wait3A_14 = tpu.memref_slice %arg4[%mul3A_6, %dma_wait3A_13] : memref<2048x256xf32, #tpu.memory_space<hbm>> -> memref<64x256xf32, #tpu.memory_space<hbm>>
    tpu.wait_dma2 semaphore(%arg8 : memref<!tpu.dma_semaphore, #tpu.memory_space<semaphore_mem>>) src(%arg6 : memref<64x256xf32, #tpu.memory_space<vmem>>) dst(%dma_wait3A_14 : memref<64x256xf32, #tpu.memory_space<hbm>>)
    return
  }
}

#map = affine_map<(d0, d1) -> (0, 0)>
module attributes {stable_mosaic.version = 14 : i64} {
  func.func @gather(%arg0: i32, %arg1: i32, %arg2: memref<1024x256xf32, #tpu.memory_space<hbm>>, %arg3: memref<32x80xi32, #tpu.memory_space<hbm>>, %arg4: memref<2560x256xf32, #tpu.memory_space<hbm>>, %arg5: memref<80xi32, #tpu.memory_space<vmem>>, %arg6: memref<80x256xf32, #tpu.memory_space<vmem>>, %arg7: memref<!tpu.dma_semaphore, #tpu.memory_space<semaphore_mem>>, %arg8: memref<!tpu.dma_semaphore, #tpu.memory_space<semaphore_mem>>) attributes {dimension_semantics = [#tpu.dimension_semantics<core_parallel>, #tpu.dimension_semantics<subcore_parallel>], iteration_bounds = array<i64: 2, 16>, scalar_prefetch = 0 : i64, scratch_operands = 4 : i64, tpu.core_type = #tpu.core_type<sc_vector_subcore>, window_params = [{transform_indices = #map}, {transform_indices = #map}, {transform_indices = #map}]} {
    %mul3A = arith.constant 2 : i32
    %mul3A_0 = arith.muli %arg1, %mul3A : i32
    %add3A = arith.addi %mul3A_0, %arg0 : i32
    "tpu.region"() ({
      %run_scoped3A = tpu.sem_alloc : memref<!tpu.dma_semaphore, #tpu.memory_space<semaphore_mem>>
      %dma_start3A_15 = arith.constant 0 : i32
      %dma_start3A_16 = tpu.memref_slice %arg3[%add3A, %dma_start3A_15] : memref<32x80xi32, #tpu.memory_space<hbm>> -> memref<1x80xi32, #tpu.memory_space<hbm>>
      %dma_start3A_17 = tpu.memref_squeeze %dma_start3A_16 : memref<1x80xi32, #tpu.memory_space<hbm>> -> memref<80xi32, #tpu.memory_space<hbm>>
      %dma_start3A_18 = arith.constant 0 : i32
      %dma_start3A_19 = tpu.memref_slice %arg3[%add3A, %dma_start3A_18] : memref<32x80xi32, #tpu.memory_space<hbm>> -> memref<1x80xi32, #tpu.memory_space<hbm>>
      %dma_start3A_20 = tpu.memref_squeeze %dma_start3A_19 : memref<1x80xi32, #tpu.memory_space<hbm>> -> memref<80xi32, #tpu.memory_space<hbm>>
      tpu.enqueue_dma source(%dma_start3A_20 : memref<80xi32, #tpu.memory_space<hbm>>) target(%arg5 : memref<80xi32, #tpu.memory_space<vmem>>) target_semaphore(%run_scoped3A : memref<!tpu.dma_semaphore, #tpu.memory_space<semaphore_mem>>)
      %dma_wait3A_21 = arith.constant 0 : i32
      %dma_wait3A_22 = tpu.memref_slice %arg3[%add3A, %dma_wait3A_21] : memref<32x80xi32, #tpu.memory_space<hbm>> -> memref<1x80xi32, #tpu.memory_space<hbm>>
      %dma_wait3A_23 = tpu.memref_squeeze %dma_wait3A_22 : memref<1x80xi32, #tpu.memory_space<hbm>> -> memref<80xi32, #tpu.memory_space<hbm>>
      %dma_wait3A_24 = arith.constant 0 : i32
      %dma_wait3A_25 = tpu.memref_slice %arg3[%add3A, %dma_wait3A_24] : memref<32x80xi32, #tpu.memory_space<hbm>> -> memref<1x80xi32, #tpu.memory_space<hbm>>
      %dma_wait3A_26 = tpu.memref_squeeze %dma_wait3A_25 : memref<1x80xi32, #tpu.memory_space<hbm>> -> memref<80xi32, #tpu.memory_space<hbm>>
      tpu.wait_dma2 semaphore(%run_scoped3A : memref<!tpu.dma_semaphore, #tpu.memory_space<semaphore_mem>>) src(%dma_wait3A_26 : memref<80xi32, #tpu.memory_space<hbm>>) dst(%arg5 : memref<80xi32, #tpu.memory_space<vmem>>)
      tpu.yield
    }) : () -> ()
    %dma_start3A = arith.constant 0 : i32
    %dma_start3A_1 = arith.constant 0 : i32
    %dma_start3A_2 = tpu.memref_slice %arg2[%dma_start3A, %dma_start3A_1] : memref<1024x256xf32, #tpu.memory_space<hbm>> -> memref<1024x256xf32, #tpu.memory_space<hbm>>
    tpu.enqueue_indirect_dma source(%dma_start3A_2 : memref<1024x256xf32, #tpu.memory_space<hbm>>) target(%arg6 : memref<80x256xf32, #tpu.memory_space<vmem>>) offsets(%arg5 : memref<80xi32, #tpu.memory_space<vmem>>) semaphore(%arg7 : memref<!tpu.dma_semaphore, #tpu.memory_space<semaphore_mem>>)
    %dma_wait3A = arith.constant 0 : i32
    %dma_wait3A_3 = arith.constant 0 : i32
    %dma_wait3A_4 = tpu.memref_slice %arg2[%dma_wait3A, %dma_wait3A_3] : memref<1024x256xf32, #tpu.memory_space<hbm>> -> memref<1024x256xf32, #tpu.memory_space<hbm>>
    tpu.wait_indirect_dma semaphore(%arg7 : memref<!tpu.dma_semaphore, #tpu.memory_space<semaphore_mem>>) src(%dma_wait3A_4 : memref<1024x256xf32, #tpu.memory_space<hbm>>) dst(%arg6 : memref<80x256xf32, #tpu.memory_space<vmem>>)
    %mul3A_5 = arith.constant 80 : i32
    %mul3A_6 = arith.muli %add3A, %mul3A_5 : i32
    %dma_start3A_7 = arith.constant 0 : i32
    %dma_start3A_8 = tpu.memref_slice %arg4[%mul3A_6, %dma_start3A_7] : memref<2560x256xf32, #tpu.memory_space<hbm>> -> memref<80x256xf32, #tpu.memory_space<hbm>>
    %dma_start3A_9 = arith.constant 0 : i32
    %dma_start3A_10 = tpu.memref_slice %arg4[%mul3A_6, %dma_start3A_9] : memref<2560x256xf32, #tpu.memory_space<hbm>> -> memref<80x256xf32, #tpu.memory_space<hbm>>
    tpu.enqueue_dma source(%arg6 : memref<80x256xf32, #tpu.memory_space<vmem>>) target(%dma_start3A_10 : memref<80x256xf32, #tpu.memory_space<hbm>>) target_semaphore(%arg8 : memref<!tpu.dma_semaphore, #tpu.memory_space<semaphore_mem>>)
    %dma_wait3A_11 = arith.constant 0 : i32
    %dma_wait3A_12 = tpu.memref_slice %arg4[%mul3A_6, %dma_wait3A_11] : memref<2560x256xf32, #tpu.memory_space<hbm>> -> memref<80x256xf32, #tpu.memory_space<hbm>>
    %dma_wait3A_13 = arith.constant 0 : i32
    %dma_wait3A_14 = tpu.memref_slice %arg4[%mul3A_6, %dma_wait3A_13] : memref<2560x256xf32, #tpu.memory_space<hbm>> -> memref<80x256xf32, #tpu.memory_space<hbm>>
    tpu.wait_dma2 semaphore(%arg8 : memref<!tpu.dma_semaphore, #tpu.memory_space<semaphore_mem>>) src(%arg6 : memref<80x256xf32, #tpu.memory_space<vmem>>) dst(%dma_wait3A_14 : memref<80x256xf32, #tpu.memory_space<hbm>>)
    return
  }
}

module attributes {stable_mosaic.version = 14 : i64} {
  func.func @_argmin_body(%arg0: i32, %arg1: memref<512x256xf32, #tpu.memory_space<vmem>>, %arg2: memref<1024x256xf32, #tpu.memory_space<vmem>>, %arg3: memref<1x1x512xi32, #tpu.memory_space<vmem>>) attributes {dimension_semantics = [#tpu.dimension_semantics<arbitrary>], iteration_bounds = array<i64: 4>, scalar_prefetch = 0 : i64, scratch_operands = 0 : i64, tpu.core_type = #tpu.core_type<tc>, window_params = [{transform_indices = @transform_0, window_bounds = array<i64: 512, 256>}, {pipeline_mode = #tpu.pipeline_mode<synchronous>, transform_indices = @transform_1, window_bounds = array<i64: 1024, 256>}, {transform_indices = @transform_2, window_bounds = array<i64: 1, 1, 512>}]} {
    %get3A = arith.constant 0 : index
    %get3A_0 = arith.constant 0 : index
    %get3A_1 = vector.load %arg1[%get3A, %get3A_0] : memref<512x256xf32, #tpu.memory_space<vmem>>, vector<512x256xf32>
    %get3A_2 = arith.constant 0 : index
    %get3A_3 = arith.constant 0 : index
    %get3A_4 = vector.load %arg2[%get3A_2, %get3A_3] : memref<1024x256xf32, #tpu.memory_space<vmem>>, vector<1024x256xf32>
    %dot_general3A = arith.constant dense<0.000000e+00> : vector<512x1024xf32>
    %dot_general3A_5 = tpu.matmul %get3A_1, %get3A_4, %dot_general3A {dimension_numbers = #tpu.dot_dimension_numbers<[1], [1], [0], [0], [0, 0, 1, 0], [], []>, transpose_lhs_hint = false} : vector<512x256xf32>, vector<1024x256xf32>, vector<512x1024xf32> -> vector<512x1024xf32>
    %mul3A = arith.mulf %get3A_1, %get3A_1 : vector<512x256xf32>
    %reduce_sum3A = arith.constant dense<0.000000e+00> : vector<512xf32>
    %reduce_sum3A_6 = vector.multi_reduction <add>, %mul3A, %reduce_sum3A [1] : vector<512x256xf32> to vector<512xf32>
    %broadcast_in_dim3A = vector.shape_cast %reduce_sum3A_6 : vector<512xf32> to vector<512x1xf32>
    %mul3A_7 = arith.mulf %get3A_4, %get3A_4 : vector<1024x256xf32>
    %reduce_sum3A_8 = arith.constant dense<0.000000e+00> : vector<1024xf32>
    %reduce_sum3A_9 = vector.multi_reduction <add>, %mul3A_7, %reduce_sum3A_8 [1] : vector<1024x256xf32> to vector<1024xf32>
    %broadcast_in_dim3A_10 = vector.shape_cast %reduce_sum3A_9 : vector<1024xf32> to vector<1x1024xf32>
    %add3A = vector.broadcast %broadcast_in_dim3A : vector<512x1xf32> to vector<512x1024xf32>
    %add3A_11 = vector.broadcast %broadcast_in_dim3A_10 : vector<1x1024xf32> to vector<512x1024xf32>
    %add3A_12 = arith.addf %add3A, %add3A_11 : vector<512x1024xf32>
    %mul3A_13 = arith.constant 2.000000e+00 : f32
    %mul3A_14 = vector.broadcast %mul3A_13 : f32 to vector<512x1024xf32>
    %mul3A_15 = arith.mulf %mul3A_14, %dot_general3A_5 : vector<512x1024xf32>
    %sub3A = arith.subf %add3A_12, %mul3A_15 : vector<512x1024xf32>
    %jit3A = arith.constant 0.000000e+00 : f32
    %max3A = vector.broadcast %jit3A : f32 to vector<512x1024xf32>
    %max3A_16 = arith.maximumf %max3A, %sub3A : vector<512x1024xf32>
    %sqrt3A = math.sqrt %max3A_16 : vector<512x1024xf32>
    %slice3A = vector.extract_strided_slice %sqrt3A {offsets = [0, 0], sizes = [512, 128], strides = [1, 1]} : vector<512x1024xf32> to vector<512x128xf32>
    %broadcast_in_dim3A_17 = arith.constant 0.000000e+00 : f32
    %broadcast_in_dim3A_18 = vector.broadcast %broadcast_in_dim3A_17 : f32 to vector<512x128xf32>
    %slice3A_19 = vector.extract_strided_slice %sqrt3A {offsets = [0, 128], sizes = [512, 128], strides = [1, 1]} : vector<512x1024xf32> to vector<512x128xf32>
    %lt3A = arith.cmpf olt, %slice3A_19, %slice3A : vector<512x128xf32>
    %jit3A_20 = arith.constant 1.000000e+00 : f32
    %broadcast_in_dim3A_21 = vector.broadcast %jit3A_20 : f32 to vector<512x128xf32>
    %select_n3A = arith.select %lt3A, %broadcast_in_dim3A_21, %broadcast_in_dim3A_18 : vector<512x128xi1>, vector<512x128xf32>
    %min3A = arith.minimumf %slice3A, %slice3A_19 : vector<512x128xf32>
    %slice3A_22 = vector.extract_strided_slice %sqrt3A {offsets = [0, 256], sizes = [512, 128], strides = [1, 1]} : vector<512x1024xf32> to vector<512x128xf32>
    %lt3A_23 = arith.cmpf olt, %slice3A_22, %min3A : vector<512x128xf32>
    %jit3A_24 = arith.constant 2.000000e+00 : f32
    %broadcast_in_dim3A_25 = vector.broadcast %jit3A_24 : f32 to vector<512x128xf32>
    %select_n3A_26 = arith.select %lt3A_23, %broadcast_in_dim3A_25, %select_n3A : vector<512x128xi1>, vector<512x128xf32>
    %min3A_27 = arith.minimumf %min3A, %slice3A_22 : vector<512x128xf32>
    %slice3A_28 = vector.extract_strided_slice %sqrt3A {offsets = [0, 384], sizes = [512, 128], strides = [1, 1]} : vector<512x1024xf32> to vector<512x128xf32>
    %lt3A_29 = arith.cmpf olt, %slice3A_28, %min3A_27 : vector<512x128xf32>
    %jit3A_30 = arith.constant 3.000000e+00 : f32
    %broadcast_in_dim3A_31 = vector.broadcast %jit3A_30 : f32 to vector<512x128xf32>
    %select_n3A_32 = arith.select %lt3A_29, %broadcast_in_dim3A_31, %select_n3A_26 : vector<512x128xi1>, vector<512x128xf32>
    %min3A_33 = arith.minimumf %min3A_27, %slice3A_28 : vector<512x128xf32>
    %slice3A_34 = vector.extract_strided_slice %sqrt3A {offsets = [0, 512], sizes = [512, 128], strides = [1, 1]} : vector<512x1024xf32> to vector<512x128xf32>
    %lt3A_35 = arith.cmpf olt, %slice3A_34, %min3A_33 : vector<512x128xf32>
    %jit3A_36 = arith.constant 4.000000e+00 : f32
    %broadcast_in_dim3A_37 = vector.broadcast %jit3A_36 : f32 to vector<512x128xf32>
    %select_n3A_38 = arith.select %lt3A_35, %broadcast_in_dim3A_37, %select_n3A_32 : vector<512x128xi1>, vector<512x128xf32>
    %min3A_39 = arith.minimumf %min3A_33, %slice3A_34 : vector<512x128xf32>
    %slice3A_40 = vector.extract_strided_slice %sqrt3A {offsets = [0, 640], sizes = [512, 128], strides = [1, 1]} : vector<512x1024xf32> to vector<512x128xf32>
    %lt3A_41 = arith.cmpf olt, %slice3A_40, %min3A_39 : vector<512x128xf32>
    %jit3A_42 = arith.constant 5.000000e+00 : f32
    %broadcast_in_dim3A_43 = vector.broadcast %jit3A_42 : f32 to vector<512x128xf32>
    %select_n3A_44 = arith.select %lt3A_41, %broadcast_in_dim3A_43, %select_n3A_38 : vector<512x128xi1>, vector<512x128xf32>
    %min3A_45 = arith.minimumf %min3A_39, %slice3A_40 : vector<512x128xf32>
    %slice3A_46 = vector.extract_strided_slice %sqrt3A {offsets = [0, 768], sizes = [512, 128], strides = [1, 1]} : vector<512x1024xf32> to vector<512x128xf32>
    %lt3A_47 = arith.cmpf olt, %slice3A_46, %min3A_45 : vector<512x128xf32>
    %jit3A_48 = arith.constant 6.000000e+00 : f32
    %broadcast_in_dim3A_49 = vector.broadcast %jit3A_48 : f32 to vector<512x128xf32>
    %select_n3A_50 = arith.select %lt3A_47, %broadcast_in_dim3A_49, %select_n3A_44 : vector<512x128xi1>, vector<512x128xf32>
    %min3A_51 = arith.minimumf %min3A_45, %slice3A_46 : vector<512x128xf32>
    %slice3A_52 = vector.extract_strided_slice %sqrt3A {offsets = [0, 896], sizes = [512, 128], strides = [1, 1]} : vector<512x1024xf32> to vector<512x128xf32>
    %lt3A_53 = arith.cmpf olt, %slice3A_52, %min3A_51 : vector<512x128xf32>
    %jit3A_54 = arith.constant 7.000000e+00 : f32
    %broadcast_in_dim3A_55 = vector.broadcast %jit3A_54 : f32 to vector<512x128xf32>
    %select_n3A_56 = arith.select %lt3A_53, %broadcast_in_dim3A_55, %select_n3A_50 : vector<512x128xi1>, vector<512x128xf32>
    %min3A_57 = arith.minimumf %min3A_51, %slice3A_52 : vector<512x128xf32>
    %reduce_min3A = arith.constant dense<0x7F800000> : vector<512xf32>
    %reduce_min3A_58 = vector.multi_reduction <minimumf>, %min3A_57, %reduce_min3A [1] : vector<512x128xf32> to vector<512xf32>
    %broadcast_in_dim3A_59 = vector.shape_cast %reduce_min3A_58 : vector<512xf32> to vector<512x1xf32>
    %iota3A = tpu.iota {dimensions = array<i32: 1>} : vector<512x128xi32>
    %convert_element_type3A = arith.sitofp %iota3A : vector<512x128xi32> to vector<512x128xf32>
    %mul3A_60 = arith.constant 1.280000e+02 : f32
    %mul3A_61 = vector.broadcast %mul3A_60 : f32 to vector<512x128xf32>
    %mul3A_62 = arith.mulf %select_n3A_56, %mul3A_61 : vector<512x128xf32>
    %add3A_63 = arith.addf %mul3A_62, %convert_element_type3A : vector<512x128xf32>
    %eq3A = vector.broadcast %broadcast_in_dim3A_59 : vector<512x1xf32> to vector<512x128xf32>
    %eq3A_64 = arith.cmpf oeq, %min3A_57, %eq3A : vector<512x128xf32>
    %jit3A_65 = arith.constant 1.024000e+03 : f32
    %broadcast_in_dim3A_66 = vector.broadcast %jit3A_65 : f32 to vector<512x128xf32>
    %select_n3A_67 = arith.select %eq3A_64, %add3A_63, %broadcast_in_dim3A_66 : vector<512x128xi1>, vector<512x128xf32>
    %reduce_min3A_68 = arith.constant dense<0x7F800000> : vector<512xf32>
    %reduce_min3A_69 = vector.multi_reduction <minimumf>, %select_n3A_67, %reduce_min3A_68 [1] : vector<512x128xf32> to vector<512xf32>
    %convert_element_type3A_70 = arith.fptosi %reduce_min3A_69 : vector<512xf32> to vector<512xi32>
    %swap3A = arith.constant 0 : index
    %swap3A_71 = arith.constant 0 : index
    %swap3A_72 = arith.constant 0 : index
    %swap3A_73 = vector.load %arg3[%swap3A, %swap3A_71, %swap3A_72] : memref<1x1x512xi32, #tpu.memory_space<vmem>>, vector<1x1x512xi32>
    %swap3A_74 = vector.shape_cast %swap3A_73 : vector<1x1x512xi32> to vector<512xi32>
    %swap3A_75 = vector.shape_cast %convert_element_type3A_70 : vector<512xi32> to vector<1x1x512xi32>
    tpu.vector_store %arg3[%swap3A, %swap3A_71, %swap3A_72], %swap3A_75 {strides = array<i32>} : memref<1x1x512xi32, #tpu.memory_space<vmem>>, vector<1x1x512xi32>,
    return
  }
  func.func @transform_0(%arg0: i32) -> (i32, i32) {
    %add3A = arith.constant 5 : i32
    %add3A_0 = arith.addi %arg0, %add3A : i32
    %c0_i32 = arith.constant 0 : i32
    %c0_i32_1 = arith.constant 0 : i32
    return %add3A_0, %c0_i32 : i32, i32
  }
  func.func @transform_1(%arg0: i32) -> (i32, i32) {
    %c0_i32 = arith.constant 0 : i32
    %c0_i32_0 = arith.constant 0 : i32
    %c0_i32_1 = arith.constant 0 : i32
    return %c0_i32, %c0_i32_0 : i32, i32
  }
  func.func @transform_2(%arg0: i32) -> (i32, i32, i32) {
    %c0_i32 = arith.constant 0 : i32
    %c0_i32_0 = arith.constant 0 : i32
    %c0_i32_1 = arith.constant 0 : i32
    return %arg0, %c0_i32, %c0_i32_0 : i32, i32, i32
  }
}

module attributes {stable_mosaic.version = 14 : i64} {
  func.func @_argmin_body(%arg0: i32, %arg1: memref<512x256xf32, #tpu.memory_space<vmem>>, %arg2: memref<1024x256xf32, #tpu.memory_space<vmem>>, %arg3: memref<1x1x512xi32, #tpu.memory_space<vmem>>) attributes {dimension_semantics = [#tpu.dimension_semantics<arbitrary>], iteration_bounds = array<i64: 5>, scalar_prefetch = 0 : i64, scratch_operands = 0 : i64, tpu.core_type = #tpu.core_type<tc>, window_params = [{transform_indices = @transform_0, window_bounds = array<i64: 512, 256>}, {pipeline_mode = #tpu.pipeline_mode<synchronous>, transform_indices = @transform_1, window_bounds = array<i64: 1024, 256>}, {transform_indices = @transform_2, window_bounds = array<i64: 1, 1, 512>}]} {
    %get3A = arith.constant 0 : index
    %get3A_0 = arith.constant 0 : index
    %get3A_1 = vector.load %arg1[%get3A, %get3A_0] : memref<512x256xf32, #tpu.memory_space<vmem>>, vector<512x256xf32>
    %get3A_2 = arith.constant 0 : index
    %get3A_3 = arith.constant 0 : index
    %get3A_4 = vector.load %arg2[%get3A_2, %get3A_3] : memref<1024x256xf32, #tpu.memory_space<vmem>>, vector<1024x256xf32>
    %dot_general3A = arith.constant dense<0.000000e+00> : vector<512x1024xf32>
    %dot_general3A_5 = tpu.matmul %get3A_1, %get3A_4, %dot_general3A {dimension_numbers = #tpu.dot_dimension_numbers<[1], [1], [0], [0], [0, 0, 1, 0], [], []>, transpose_lhs_hint = false} : vector<512x256xf32>, vector<1024x256xf32>, vector<512x1024xf32> -> vector<512x1024xf32>
    %mul3A = arith.mulf %get3A_1, %get3A_1 : vector<512x256xf32>
    %reduce_sum3A = arith.constant dense<0.000000e+00> : vector<512xf32>
    %reduce_sum3A_6 = vector.multi_reduction <add>, %mul3A, %reduce_sum3A [1] : vector<512x256xf32> to vector<512xf32>
    %broadcast_in_dim3A = vector.shape_cast %reduce_sum3A_6 : vector<512xf32> to vector<512x1xf32>
    %mul3A_7 = arith.mulf %get3A_4, %get3A_4 : vector<1024x256xf32>
    %reduce_sum3A_8 = arith.constant dense<0.000000e+00> : vector<1024xf32>
    %reduce_sum3A_9 = vector.multi_reduction <add>, %mul3A_7, %reduce_sum3A_8 [1] : vector<1024x256xf32> to vector<1024xf32>
    %broadcast_in_dim3A_10 = vector.shape_cast %reduce_sum3A_9 : vector<1024xf32> to vector<1x1024xf32>
    %add3A = vector.broadcast %broadcast_in_dim3A : vector<512x1xf32> to vector<512x1024xf32>
    %add3A_11 = vector.broadcast %broadcast_in_dim3A_10 : vector<1x1024xf32> to vector<512x1024xf32>
    %add3A_12 = arith.addf %add3A, %add3A_11 : vector<512x1024xf32>
    %mul3A_13 = arith.constant 2.000000e+00 : f32
    %mul3A_14 = vector.broadcast %mul3A_13 : f32 to vector<512x1024xf32>
    %mul3A_15 = arith.mulf %mul3A_14, %dot_general3A_5 : vector<512x1024xf32>
    %sub3A = arith.subf %add3A_12, %mul3A_15 : vector<512x1024xf32>
    %jit3A = arith.constant 0.000000e+00 : f32
    %max3A = vector.broadcast %jit3A : f32 to vector<512x1024xf32>
    %max3A_16 = arith.maximumf %max3A, %sub3A : vector<512x1024xf32>
    %sqrt3A = math.sqrt %max3A_16 : vector<512x1024xf32>
    %slice3A = vector.extract_strided_slice %sqrt3A {offsets = [0, 0], sizes = [512, 128], strides = [1, 1]} : vector<512x1024xf32> to vector<512x128xf32>
    %broadcast_in_dim3A_17 = arith.constant 0.000000e+00 : f32
    %broadcast_in_dim3A_18 = vector.broadcast %broadcast_in_dim3A_17 : f32 to vector<512x128xf32>
    %slice3A_19 = vector.extract_strided_slice %sqrt3A {offsets = [0, 128], sizes = [512, 128], strides = [1, 1]} : vector<512x1024xf32> to vector<512x128xf32>
    %lt3A = arith.cmpf olt, %slice3A_19, %slice3A : vector<512x128xf32>
    %jit3A_20 = arith.constant 1.000000e+00 : f32
    %broadcast_in_dim3A_21 = vector.broadcast %jit3A_20 : f32 to vector<512x128xf32>
    %select_n3A = arith.select %lt3A, %broadcast_in_dim3A_21, %broadcast_in_dim3A_18 : vector<512x128xi1>, vector<512x128xf32>
    %min3A = arith.minimumf %slice3A, %slice3A_19 : vector<512x128xf32>
    %slice3A_22 = vector.extract_strided_slice %sqrt3A {offsets = [0, 256], sizes = [512, 128], strides = [1, 1]} : vector<512x1024xf32> to vector<512x128xf32>
    %lt3A_23 = arith.cmpf olt, %slice3A_22, %min3A : vector<512x128xf32>
    %jit3A_24 = arith.constant 2.000000e+00 : f32
    %broadcast_in_dim3A_25 = vector.broadcast %jit3A_24 : f32 to vector<512x128xf32>
    %select_n3A_26 = arith.select %lt3A_23, %broadcast_in_dim3A_25, %select_n3A : vector<512x128xi1>, vector<512x128xf32>
    %min3A_27 = arith.minimumf %min3A, %slice3A_22 : vector<512x128xf32>
    %slice3A_28 = vector.extract_strided_slice %sqrt3A {offsets = [0, 384], sizes = [512, 128], strides = [1, 1]} : vector<512x1024xf32> to vector<512x128xf32>
    %lt3A_29 = arith.cmpf olt, %slice3A_28, %min3A_27 : vector<512x128xf32>
    %jit3A_30 = arith.constant 3.000000e+00 : f32
    %broadcast_in_dim3A_31 = vector.broadcast %jit3A_30 : f32 to vector<512x128xf32>
    %select_n3A_32 = arith.select %lt3A_29, %broadcast_in_dim3A_31, %select_n3A_26 : vector<512x128xi1>, vector<512x128xf32>
    %min3A_33 = arith.minimumf %min3A_27, %slice3A_28 : vector<512x128xf32>
    %slice3A_34 = vector.extract_strided_slice %sqrt3A {offsets = [0, 512], sizes = [512, 128], strides = [1, 1]} : vector<512x1024xf32> to vector<512x128xf32>
    %lt3A_35 = arith.cmpf olt, %slice3A_34, %min3A_33 : vector<512x128xf32>
    %jit3A_36 = arith.constant 4.000000e+00 : f32
    %broadcast_in_dim3A_37 = vector.broadcast %jit3A_36 : f32 to vector<512x128xf32>
    %select_n3A_38 = arith.select %lt3A_35, %broadcast_in_dim3A_37, %select_n3A_32 : vector<512x128xi1>, vector<512x128xf32>
    %min3A_39 = arith.minimumf %min3A_33, %slice3A_34 : vector<512x128xf32>
    %slice3A_40 = vector.extract_strided_slice %sqrt3A {offsets = [0, 640], sizes = [512, 128], strides = [1, 1]} : vector<512x1024xf32> to vector<512x128xf32>
    %lt3A_41 = arith.cmpf olt, %slice3A_40, %min3A_39 : vector<512x128xf32>
    %jit3A_42 = arith.constant 5.000000e+00 : f32
    %broadcast_in_dim3A_43 = vector.broadcast %jit3A_42 : f32 to vector<512x128xf32>
    %select_n3A_44 = arith.select %lt3A_41, %broadcast_in_dim3A_43, %select_n3A_38 : vector<512x128xi1>, vector<512x128xf32>
    %min3A_45 = arith.minimumf %min3A_39, %slice3A_40 : vector<512x128xf32>
    %slice3A_46 = vector.extract_strided_slice %sqrt3A {offsets = [0, 768], sizes = [512, 128], strides = [1, 1]} : vector<512x1024xf32> to vector<512x128xf32>
    %lt3A_47 = arith.cmpf olt, %slice3A_46, %min3A_45 : vector<512x128xf32>
    %jit3A_48 = arith.constant 6.000000e+00 : f32
    %broadcast_in_dim3A_49 = vector.broadcast %jit3A_48 : f32 to vector<512x128xf32>
    %select_n3A_50 = arith.select %lt3A_47, %broadcast_in_dim3A_49, %select_n3A_44 : vector<512x128xi1>, vector<512x128xf32>
    %min3A_51 = arith.minimumf %min3A_45, %slice3A_46 : vector<512x128xf32>
    %slice3A_52 = vector.extract_strided_slice %sqrt3A {offsets = [0, 896], sizes = [512, 128], strides = [1, 1]} : vector<512x1024xf32> to vector<512x128xf32>
    %lt3A_53 = arith.cmpf olt, %slice3A_52, %min3A_51 : vector<512x128xf32>
    %jit3A_54 = arith.constant 7.000000e+00 : f32
    %broadcast_in_dim3A_55 = vector.broadcast %jit3A_54 : f32 to vector<512x128xf32>
    %select_n3A_56 = arith.select %lt3A_53, %broadcast_in_dim3A_55, %select_n3A_50 : vector<512x128xi1>, vector<512x128xf32>
    %min3A_57 = arith.minimumf %min3A_51, %slice3A_52 : vector<512x128xf32>
    %reduce_min3A = arith.constant dense<0x7F800000> : vector<512xf32>
    %reduce_min3A_58 = vector.multi_reduction <minimumf>, %min3A_57, %reduce_min3A [1] : vector<512x128xf32> to vector<512xf32>
    %broadcast_in_dim3A_59 = vector.shape_cast %reduce_min3A_58 : vector<512xf32> to vector<512x1xf32>
    %iota3A = tpu.iota {dimensions = array<i32: 1>} : vector<512x128xi32>
    %convert_element_type3A = arith.sitofp %iota3A : vector<512x128xi32> to vector<512x128xf32>
    %mul3A_60 = arith.constant 1.280000e+02 : f32
    %mul3A_61 = vector.broadcast %mul3A_60 : f32 to vector<512x128xf32>
    %mul3A_62 = arith.mulf %select_n3A_56, %mul3A_61 : vector<512x128xf32>
    %add3A_63 = arith.addf %mul3A_62, %convert_element_type3A : vector<512x128xf32>
    %eq3A = vector.broadcast %broadcast_in_dim3A_59 : vector<512x1xf32> to vector<512x128xf32>
    %eq3A_64 = arith.cmpf oeq, %min3A_57, %eq3A : vector<512x128xf32>
    %jit3A_65 = arith.constant 1.024000e+03 : f32
    %broadcast_in_dim3A_66 = vector.broadcast %jit3A_65 : f32 to vector<512x128xf32>
    %select_n3A_67 = arith.select %eq3A_64, %add3A_63, %broadcast_in_dim3A_66 : vector<512x128xi1>, vector<512x128xf32>
    %reduce_min3A_68 = arith.constant dense<0x7F800000> : vector<512xf32>
    %reduce_min3A_69 = vector.multi_reduction <minimumf>, %select_n3A_67, %reduce_min3A_68 [1] : vector<512x128xf32> to vector<512xf32>
    %convert_element_type3A_70 = arith.fptosi %reduce_min3A_69 : vector<512xf32> to vector<512xi32>
    %swap3A = arith.constant 0 : index
    %swap3A_71 = arith.constant 0 : index
    %swap3A_72 = arith.constant 0 : index
    %swap3A_73 = vector.load %arg3[%swap3A, %swap3A_71, %swap3A_72] : memref<1x1x512xi32, #tpu.memory_space<vmem>>, vector<1x1x512xi32>
    %swap3A_74 = vector.shape_cast %swap3A_73 : vector<1x1x512xi32> to vector<512xi32>
    %swap3A_75 = vector.shape_cast %convert_element_type3A_70 : vector<512xi32> to vector<1x1x512xi32>
    tpu.vector_store %arg3[%swap3A, %swap3A_71, %swap3A_72], %swap3A_75 {strides = array<i32>} : memref<1x1x512xi32, #tpu.memory_space<vmem>>, vector<1x1x512xi32>,
    return
  }
  func.func @transform_0(%arg0: i32) -> (i32, i32) {
    %add3A = arith.constant 0 : i32
    %add3A_0 = arith.addi %arg0, %add3A : i32
    %c0_i32 = arith.constant 0 : i32
    %c0_i32_1 = arith.constant 0 : i32
    return %add3A_0, %c0_i32 : i32, i32
  }
  func.func @transform_1(%arg0: i32) -> (i32, i32) {
    %c0_i32 = arith.constant 0 : i32
    %c0_i32_0 = arith.constant 0 : i32
    %c0_i32_1 = arith.constant 0 : i32
    return %c0_i32, %c0_i32_0 : i32, i32
  }
  func.func @transform_2(%arg0: i32) -> (i32, i32, i32) {
    %c0_i32 = arith.constant 0 : i32
    %c0_i32_0 = arith.constant 0 : i32
    %c0_i32_1 = arith.constant 0 : i32
    return %arg0, %c0_i32, %c0_i32_0 : i32, i32, i32
  }
}

</mosaic_0001>

<sc_bundles>
// kernel: kernel.6.cloned.1.call-start
scs
__scs_entry_jumppad:
0x0: {  	(pc) =	sbr.rel $0x88, $3  }
0x1: {  	(tag) =	ssettag $0x0;
	lr =	simm.s32 $0x1  }
0x2: {  	[smem:$0x3F9E] =	sst lr;
	_ =	strace $0xD0000000  }
0x3: {  	_ = 	snop  }
0x4: {  	_ = 	snop  }
0x5: {  	_ = 	snop  }
0x6: {  	_ = 	snop  }
0x7: {  	_ = 	snop  }
__scs_overlays_trampoline_lowered:
0x8: {  	[smem:$0x3FAD] =	sst s0  }
0x9: {  	[smem:$0x3FAE] =	sst s1  }
0xa: {  	[smem:$0x3FAF] =	sst s2  }
0xb: {  	[smem:$0x3FB0] =	sst s3  }
0xc: {  	[smem:$0x3FB1] =	sst s4  }
0xd: {  	[smem:$0x3FB2] =	sst s5  }
0xe: {  	[smem:$0x3FB3] =	sst s6  }
0xf: {  	[smem:$0x3FB4] =	sst s7  }
0x10: {  	[smem:$0x3FB5] =	sst s8  }
0x11: {  	[smem:$0x3FB6] =	sst s9;
	s0 =	simm.s32 @!p0 $0x0  }
0x12: {  	s1 =	sld [smem:$0x3F9C];
	s0 =	simm.s32 @p0 $0x1  }
0x13: {  	[smem:$0x3FB7] =	sst s0;
	s0 =	simm.s32 @!p1 $0x0  }
0x14: {  	s2 =	sld [smem:$0x3F9B];
	s0 =	simm.s32 @p1 $0x1  }
0x15: {  	[smem:$0x3FB8] =	sst s0;
	s0 =	simm.s32 @!p2 $0x0  }
0x16: {  	s3 =	sld [smem:$0x3FDB];
	s0 =	simm.s32 @p2 $0x1  }
0x17: {  	s4 =	simm.s32 $0x1BF5;
	[smem:$0x3FBA] =	sst s0  }
0x18: {  	s0 =	sld [smem:$0x3F9D];
	_ =	swait.ge [sflag:s4], $0x0  }
0x19: {  	s7 =	sld [smem:$0x3F9E]  }
0x1a: {  	s8 =	sadd.s32 $0xFFFFE003, lr  }
0x1b: {  	s9 =	sadd.s32 $0xFFFFFEF7, lr;
	s5 =	simm.s32 $0xFFFFFFFF;
	p2 =	slt.u32 s8, $0xFFFFF086  }
0x1c: {  	p1 =	slt.u32 s9, $0xF7A;
	s5 =	simm.s32 @!p2 $0x0  }
0x1d: {  	s5 =	simm.s32 @p1 $0x1;
	p0 =	seq.s32 s7, s2  }
0x1e: {  	s7 =	smul.u32 @!p0 $0xF7A, s2;
	p2 =	seq.s32 @!p0 s5, $0x0  }
0x1f: {  	s9 =	smul.u32 $0xF7A, s1;
	s8 =	simm.s32 @!p0 $0x1BF5;
	p2 =	por !p2, p0  }
0x20: {  	[sflag:s8] =	ssyncset.s32 @!p0 $0xFFFFF086;
	s6 =	sadd.s32 @!p0 s3, s7;
	s7 =	simm.s32 @!p0 $0x108  }
0x21: {  	s3 =	sadd.s32 s3, s9;
	s6 =	sadd.s32 @!p0 $0x88, s6;
	s7 =	simm.s32 @p2 $0x1082  }
0x22: {  	[simem:s7], [sflag:s8] =	dma.local @!p0 [hbm:s6], $0xF7A  }
0x23: {  	s9 =	sor.u32 $0xD0000000, s2;
	s6 =	simm.s32 $0x108;
	_ =	swait.ge @!p0 [sflag:s8], $0x0  }
0x24: {  	s3 =	sadd.s32 $0x88, s3;
	s6 =	simm.s32 @!p1 $0x1082;
	[sflag:s4] =	ssyncset.s32 $0xFFFFF086  }
0x25: {  	[simem:s6], [sflag:s4] =	dma.local [hbm:s3], $0xF7A  }
0x26: {  	[smem:$0x3F9E] =	sst s1;
	(tag) =	ssettag s2;
	_ =	strace s9  }
0x27: {  	s1 =	sld [smem:$0x3FAE]  }
0x28: {  	s2 =	sld [smem:$0x3FAF]  }
0x29: {  	s4 =	sld [smem:$0x3FB1]  }
0x2a: {  	p0 =	seq.s32 s5, $0x0;
	s5 =	sld [smem:$0x3FB2]  }
0x2b: {  	s6 =	sld [smem:$0x3FB3]  }
0x2c: {  	s7 =	sld [smem:$0x3FB4]  }
0x2d: {  	s3 =	simm.s32 $0x108;
	s8 =	sld [smem:$0x3FB5]  }
0x2e: {  	s3 =	simm.s32 @!p0 $0x1082;
	s9 =	sld [smem:$0x3FB6]  }
0x2f: {  	lr =	sadd.s32 s0, s3;
	s0 =	sld [smem:$0x3FAD]  }
0x30: {  	s3 =	sld [smem:$0x3FB0]  }
0x31: {  	[smem:$0x3FB9] =	sst s10  }
0x32: {  	s10 =	sld [smem:$0x3FB7];
	_ =	sdelay $0x3  }
0x33: {  	p0 =	seq.s32 s10, $0x1;
	s10 =	sld [smem:$0x3FB9];
	_ =	sdelay $0x3  }
0x34: {  	[smem:$0x3FB9] =	sst s10  }
0x35: {  	s10 =	sld [smem:$0x3FB8];
	_ =	sdelay $0x3  }
0x36: {  	p1 =	seq.s32 s10, $0x1;
	s10 =	sld [smem:$0x3FB9];
	_ =	sdelay $0x3  }
0x37: {  	[smem:$0x3FB9] =	sst s10  }
0x38: {  	s10 =	sld [smem:$0x3FBA]  }
0x39: {  	_ = 	snop;
	(pc) =	sbr.ind lr, $3  }
0x3a: {  	_ = 	snop  }
0x3b: {  	_ = 	snop  }
0x3c: {  	p2 =	seq.s32 s10, $0x1;
	s10 =	sld [smem:$0x3FB9]  }
0x3d: {  	_ =	shalt  }
0x3e: {  	_ =	shalt  }
0x3f: {  	_ =	shalt  }
0x40: {  	_ =	shalt  }
0x41: {  	_ =	shalt  }
0x42: {  	_ =	shalt  }
0x43: {  	_ =	shalt  }
0x44: {  	_ =	shalt  }
0x45: {  	_ =	shalt  }
0x46: {  	_ =	shalt  }
0x47: {  	_ =	shalt  }
0x48: {  	_ =	shalt  }
0x49: {  	_ =	shalt  }
0x4a: {  	_ =	shalt  }
0x4b: {  	_ =	shalt  }
0x4c: {  	_ =	shalt  }
0x4d: {  	_ =	shalt  }
0x4e: {  	_ =	shalt  }
0x4f: {  	_ =	shalt  }
0x50: {  	_ =	shalt  }
0x51: {  	_ =	shalt  }
0x52: {  	_ =	shalt  }
0x53: {  	_ =	shalt  }
0x54: {  	_ =	shalt  }
0x55: {  	_ =	shalt  }
0x56: {  	_ =	shalt  }
0x57: {  	_ =	shalt  }
0x58: {  	_ =	shalt  }
0x59: {  	_ =	shalt  }
0x5a: {  	_ =	shalt  }
0x5b: {  	_ =	shalt  }
0x5c: {  	_ =	shalt  }
0x5d: {  	_ =	shalt  }
0x5e: {  	_ =	shalt  }
0x5f: {  	_ =	shalt  }
0x60: {  	_ =	shalt  }
0x61: {  	_ =	shalt  }
0x62: {  	_ =	shalt  }
0x63: {  	_ =	shalt  }
0x64: {  	_ =	shalt  }
0x65: {  	_ =	shalt  }
0x66: {  	_ =	shalt  }
0x67: {  	_ =	shalt  }
0x68: {  	_ =	shalt  }
0x69: {  	_ =	shalt  }
0x6a: {  	_ =	shalt  }
0x6b: {  	_ =	shalt  }
0x6c: {  	_ =	shalt  }
0x6d: {  	_ =	shalt  }
0x6e: {  	_ =	shalt  }
0x6f: {  	_ =	shalt  }
0x70: {  	_ =	shalt  }
0x71: {  	_ =	shalt  }
0x72: {  	_ =	shalt  }
0x73: {  	_ =	shalt  }
0x74: {  	_ =	shalt  }
0x75: {  	_ =	shalt  }
0x76: {  	_ =	shalt  }
0x77: {  	_ =	shalt  }
0x78: {  	_ =	shalt  }
0x79: {  	_ =	shalt  }
0x7a: {  	_ =	shalt  }
0x7b: {  	_ =	shalt  }
0x7c: {  	_ =	shalt  }
0x7d: {  	_ =	shalt  }
0x7e: {  	_ =	shalt  }
0x7f: {  	_ =	shalt  }
0x80: {  	_ =	shalt  }
0x81: {  	_ =	shalt  }
0x82: {  	_ =	shalt  }
0x83: {  	_ =	shalt  }
0x84: {  	_ =	shalt  }
0x85: {  	_ =	shalt  }
0x86: {  	_ =	shalt  }
0x87: {  	_ =	shalt  }
.Lfunc_end0:
.L_simem_size_0:
called_computation_lowered:
.L_overlay_start_0:
0x88: {  	s2 =	sld [smem:$0x3FD9]  }
0x89: {  	s3 =	sld [smem:$0x3FFE];
	_ =	sdelay $0x1  }
0x8a: {  	s1 =	srdreg.scid  }
0x8b: {  	s0 =	sand.u32 $0x1, s1  }
0x8c: {  	s17 =	sshll.u32 s0, $0xA;
	s2 =	sadd.s32 s3, s2  }
0x8d: {  	s2 =	sadd.s32 s2, s17  }
0x8e: {  	[smem:$0x3FC5] =	sst s2  }
0x8f: {  	_ = 	snop  }
0x90: {  	s18 =	sld [smem:$0x3FC7];
	(tm) =	ssettm $0x1  }
0x91: {  	s19 =	sld [smem:$0x3FFB];
	_ =	sdelay $0x3  }
0x92: {  	_ =	strace s19  }
0x93: {  	s2 =	sld [smem:$0x3FFC];
	_ =	sdelay $0x3  }
0x94: {  	_ =	strace s2  }
0x95: {  	s2 =	sld [smem:$0x3FFD];
	_ =	sdelay $0x3  }
0x96: {  	_ =	strace s2  }
0x97: {  	_ =	strace $0x8FFFFFFF  }
0x98: {  	s20 =	sld [smem:$0x3FDB];
	_ =	sdelay $0x1  }
0x99: {  	s4 =	simm.s32 $_scs_section_size  }
0x9a: {  	s5 =	simm.s32 $_size__tile_overlayer_lowered;
	s6 =	simm.s32 $_tile_overlayer_lowered  }
0x9b: {  	s7 =	simm.s32 $0x1BFF;
	s21 =	sshll.u32 s6, $0x1;
	s4 =	sadd.s32 s4, s20  }
0x9c: {  	s22 =	simm.s32 $0x0;
	s5 =	sshll.u32 s5, $0x1;
	s6 =	sadd.s32 s21, s4  }
0x9d: {  	[timem:s22], [sflag:s7] =	dma.local [hbm:s6], s5  }
0x9e: {  	_ =	swait.ge [sflag:s7], s5  }
0x9f: {  	s5 =	ssub.s32 $0x0, s5;
	[sflag:s7] =	ssyncset.done $0x0  }
0xa0: {  	[sflag:s7] =	ssyncadd.s32 s5;
	_ =	sdelay $0x1  }
0xa1: {  	s23 =	simm.s32 $0x1B8B  }
0xa2: {  	_ =	swait.ge [sflag:s23], $0x1  }
0xa3: {  	[sflag:s23] =	ssyncset.done $0x0  }
0xa4: {  	[sflag:s23] =	ssyncadd.s32 $0xFFFFFFFF  }
0xa5: {  	s5 =	sld [smem:$0x0]  }
0xa6: {  	s6 =	sand.u32 $0xFFFFFFFE, s1  }
0xa7: {  	p0 =	sne.s32 s1, s6  }
0xa8: {  	s6 =	sshll.u32 @p0 s6, $0xE  }
0xa9: {  	s6 =	sadd.s32 @p0 $0x11B8D, s6;
	s7 =	sshll.u32 @p0 s5, $0x11  }
0xaa: {  	s6 =	sor.u32 @p0 s7, s6  }
0xab: {  	[sflag:s6] =	ssyncadd.remote.s32 @p0 $0x1;
	_ =	sdelay $0x1  }
0xac: {  	s6 =	simm.s32 @p0 $0x1B8D  }
0xad: {  	_ =	swait.eq @p0 [sflag:s6], $0x1  }
0xae: {  	[sflag:s6] =	ssyncadd.s32 @p0 $0xFFFFFFFF  }
0xaf: {  	s7 =	sshll.u32 @!p0 s1, $0xE  }
0xb0: {  	s7 =	sor.u32 @!p0 $0x4000, s7;
	s6 =	simm.s32 @!p0 $0x1B8D  }
0xb1: {  	s5 =	sshll.u32 @!p0 s5, $0x11;
	s7 =	sadd.s32 @!p0 $0x11B8D, s7;
	_ =	swait.eq @!p0 [sflag:s6], $0x1  }
0xb2: {  	s5 =	sor.u32 @!p0 s5, s7;
	[sflag:s6] =	ssyncadd.s32 @!p0 $0xFFFFFFFF  }
0xb3: {  	s25 =	simm.s32 $0x1B8E;
	s24 =	sld [smem:$0x3FFE];
	[sflag:s5] =	ssyncadd.remote.s32 @!p0 $0x1  }
0xb4: {  	s26 =	simm.s32 $execute0_lowered;
	[smem:$0x3FD2] =	sst s25  }
0xb5: {  	s6 =	sshll.u32 s26, $0x1;
	_ =	strace $0x80000049;
	[dreg:$0x1] =	wrdreg $0xFFFFFFFF  }
0xb6: {  	s28 =	simm.s32 $_size_execute0_lowered;
	s4 =	sadd.s32 s4, s6;
	[dreg:$0x0] =	wrdreg $0x0  }
0xb7: {  	s6 =	sshll.u32 s28, $0x1;
	[dreg:$0x2] =	wrdreg s4  }
0xb8: {  	[dreg:$0x3] =	wrdreg s6  }
0xb9: {  	[dreg:$0x4] =	wrdreg $0xC0  }
0xba: {  	_ =	task [dreg:s22], $0x5FFFF  }
0xbb: {  	[dreg:$0x1] =	wrdreg $0xFFFFFFFF  }
0xbc: {  	[dreg:$0x0] =	wrdreg $0x60  }
0xbd: {  	[dreg:$0x2] =	wrdreg s18  }
0xbe: {  	[dreg:$0x3] =	wrdreg s24  }
0xbf: {  	[dreg:$0x4] =	wrdreg $0x9  }
0xc0: {  	_ =	task.clear_ibuf [dreg:s22], $0x5FFFF;
	_ =	strace $0x90000049  }
0xc1: {  	s29 =	simm.s32 $0x9;
	_ =	strace $0x8000004B  }
0xc2: {  	_ =	swait.ge [sflag:s29], $0x1  }
0xc3: {  	[sflag:s29] =	ssyncadd.s32 $0xFFFFFFFF  }
0xc4: {  	_ =	strace $0x9000004B  }
0xc5: {  	_ =	sfence  }
0xc6: {  	s30 =	sld [smem:$0x0];
	_ =	sdelay $0x2  }
0xc7: {  	s31 =	sshll.u32 s1, $0xD;
	s1 =	sshrl.u32 s1, $0x2  }
0xc8: {  	s4 =	sand.u32 $0x4000, s31;
	s1 =	sadd.s32 s1, s30  }
0xc9: {  	s0 =	sor.u32 s4, s0;
	s1 =	sshll.u32 s1, $0x11  }
0xca: {  	s0 =	sor.u32 s1, s0  }
0xcb: {  	s0 =	sadd.s32 $0x8F2B, s0  }
0xcc: {  	[sflag:s0] =	ssyncadd.remote.s32 $0x1  }
0xcd: {  	_ =	sfence.sel $0xFFFF  }
0xce: {  	[dreg:$0x0] =	wrdreg $0xFFFFFFFF;
	(pc) =	sbr.abs _section_cstart, $3  }
0xcf: {  	[dreg:$0x1] =	wrdreg $0xFFFFFFFF  }
0xd0: {  	_ =	task.clear_ibuf [dreg:s22], $0x2FFFF;
	_ =	strace $0x9FFFFFFF  }
0xd1: {  	(tm) =	ssettm $0x7FFFFFFF  }
tec
execute0_lowered:
.L_overlay_start_1:
0x0: {  	(tag) =	ssettag $0x1  }
0x1: {  	s2 =	rddreg [dreg:$0x0]  }
0x2: {  	s4 =	rddreg [dreg:$0x1]  }
0x3: {  	s0 =	rddreg [dreg:$0x2];
	s5 =	srdreg.scid  }
0x4: {  	s1 =	stileid.u32;
	s3 =	simm.s32 $0x0;
	s9 =	simm.s32 $0x880  }
0x5: {  	s10 =	simm.s32 $0x1080;
	s11 =	simm.s32 $0x1880;
	s12 =	simm.s32 $0x2080  }
0x6: {  	s13 =	simm.s32 $0x2880;
	s14 =	simm.s32 $0x3080;
	s15 =	simm.s32 $0x3880  }
0x7: {  	s16 =	simm.s32 $0x4080;
	s17 =	simm.s32 $0x4880;
	s18 =	simm.s32 $0x1  }
0x8: {  	s19 =	simm.s32 $0x2;
	s5 =	sand.u32 $0x1, s5;
	s6 =	sshll.u32 s1, $0x1  }
0x9: {  	[smem:$0x7FF] =	sst s3;
	s6 =	sor.u32 s5, s6;
	s5 =	ssub.s32 $0x2, s5  }
0xa: {  	s7 =	sshll.u32 s6, $0x4;
	s6 =	smul.u32 $0xA00, s6;
	s8 =	sshrl.u32 s5, $0x1  }
0xb: {  	v2 =	vlaneseq.u32;
	_ =	strace $0x8000004A;
	s7 =	sadd.s32 s7, s4;
	s8 =	ssub.s32 s5, s8  }
0xc: {  	vm0 =	vmmov $0xffff;
	v1 =	vshrl.u32 v2, $0x3;
	s6 =	sadd.s32 s6, s4;
	s4 =	sadd.s32 $0x10200, s7;
	s7 =	simm.s32 $0x3  }
0xd: {  	v0 =	vand.u32 $0x7, v2;
	v2 =	vor.u32 $0x8, v2;
	v1 =	vmul.u32 $0x8, v1;
	s5 =	sadd.s32 $0x10400, s6;
	s6 =	smax.u32 s8, $0x1;
	s8 =	simm.s32 $0x80  }
.LBB2_1:
0xe: {  	[tilespmem:s3], [sflag:$0x3] =	stream.linear.gather [hbm4b:s4+s3], $0x80, $0x38;
	[tilespmem:$0x5080] =	vst v63  }
0xf: {  	_ =	swait.ge [sflag:s7], $0x80  }
0x10: {  	[sflag:s7] =	ssyncset.done $0x0  }
0x11: {  	[sflag:s7] =	ssyncadd.s32 $0xFFFFFF80  }
0x12: {  	v3 =	vld [tilespmem:$0x0];
	_ =	sdelay $0x4  }
0x13: {  	v4 =	vshll.u32 v3, $0x1  }
0x14: {  	v3 =	vand.u32 $0x7, v3;
	v4 =	vand.u32 $0xFFFFFFF0, v4  }
0x15: {  	v3 =	vor.u32 v3, v4  }
0x16: {  	v4 =	vperm.xlane v3, v0;
	_ =	sdelay $0x1  }
0x17: {  	v3 =	vperm.xlane v3, v2;
	v4 =	vadd.s32 v1, v4;
	_ =	sdelay $0x1  }
0x18: {  	v3 =	vadd.s32 v1, v3;
	_ =	sdelay $0x2  }
0x19: {  	[tilespmem:s8], [sflag:$0x1] =	stream.indirect_vreg.gather [hbm4b:s2+s3], $0x80, v4, vm0, $0xb8;
	[tilespmem:$0x5080] =	vst v63  }
0x1a: {  	_ = 	snop  }
0x1b: {  	[tilespmem:s9], [sflag:$0x1] =	stream.indirect_vreg.gather [hbm4b:s2+s3], $0x80, v3, vm0, $0xb8;
	[tilespmem:$0x5080] =	vst v63  }
0x1c: {  	v3 =	vld [tilespmem:$0x10];
	_ =	sdelay $0x4  }
0x1d: {  	v60 =	vshll.u32 v3, $0x1  }
0x1e: {  	v3 =	vand.u32 $0x7, v3;
	v4 =	vand.u32 $0xFFFFFFF0, v60  }
0x1f: {  	v3 =	vor.u32 v3, v4  }
0x20: {  	v4 =	vperm.xlane v3, v0;
	_ =	sdelay $0x1  }
0x21: {  	v3 =	vperm.xlane v3, v2;
	v4 =	vadd.s32 v1, v4;
	_ =	sdelay $0x1  }
0x22: {  	v3 =	vadd.s32 v1, v3;
	_ =	sdelay $0x2  }
0x23: {  	[tilespmem:s10], [sflag:$0x1] =	stream.indirect_vreg.gather [hbm4b:s2+s3], $0x80, v4, vm0, $0xb8;
	[tilespmem:$0x5080] =	vst v63  }
0x24: {  	_ = 	snop  }
0x25: {  	[tilespmem:s11], [sflag:$0x1] =	stream.indirect_vreg.gather [hbm4b:s2+s3], $0x80, v3, vm0, $0xb8;
	[tilespmem:$0x5080] =	vst v63  }
0x26: {  	v3 =	vld [tilespmem:$0x20];
	_ =	sdelay $0x4  }
0x27: {  	v61 =	vshll.u32 v3, $0x1  }
0x28: {  	v3 =	vand.u32 $0x7, v3;
	v4 =	vand.u32 $0xFFFFFFF0, v61  }
0x29: {  	v3 =	vor.u32 v3, v4  }
0x2a: {  	v4 =	vperm.xlane v3, v0;
	_ =	sdelay $0x1  }
0x2b: {  	v3 =	vperm.xlane v3, v2;
	v4 =	vadd.s32 v1, v4;
	_ =	sdelay $0x1  }
0x2c: {  	v3 =	vadd.s32 v1, v3;
	_ =	sdelay $0x2  }
0x2d: {  	[tilespmem:s12], [sflag:$0x1] =	stream.indirect_vreg.gather [hbm4b:s2+s3], $0x80, v4, vm0, $0xb8;
	[tilespmem:$0x5080] =	vst v63  }
0x2e: {  	_ = 	snop  }
0x2f: {  	[tilespmem:s13], [sflag:$0x1] =	stream.indirect_vreg.gather [hbm4b:s2+s3], $0x80, v3, vm0, $0xb8;
	[tilespmem:$0x5080] =	vst v63  }
0x30: {  	v3 =	vld [tilespmem:$0x30];
	_ =	sdelay $0x4  }
0x31: {  	v62 =	vshll.u32 v3, $0x1  }
0x32: {  	v3 =	vand.u32 $0x7, v3;
	v4 =	vand.u32 $0xFFFFFFF0, v62  }
0x33: {  	v3 =	vor.u32 v3, v4  }
0x34: {  	v4 =	vperm.xlane v3, v0;
	_ =	sdelay $0x1  }
0x35: {  	v3 =	vperm.xlane v3, v2;
	v4 =	vadd.s32 v1, v4;
	_ =	sdelay $0x1  }
0x36: {  	v3 =	vadd.s32 v1, v3;
	_ =	sdelay $0x2  }
0x37: {  	[tilespmem:s14], [sflag:$0x1] =	stream.indirect_vreg.gather [hbm4b:s2+s3], $0x80, v4, vm0, $0xb8;
	[tilespmem:$0x5080] =	vst v63  }
0x38: {  	_ = 	snop  }
0x39: {  	[tilespmem:s15], [sflag:$0x1] =	stream.indirect_vreg.gather [hbm4b:s2+s3], $0x80, v3, vm0, $0xb8;
	[tilespmem:$0x5080] =	vst v63  }
0x3a: {  	v3 =	vld [tilespmem:$0x40];
	_ =	sdelay $0x4  }
0x3b: {  	v63 =	vshll.u32 v3, $0x1  }
0x3c: {  	v3 =	vand.u32 $0x7, v3;
	v4 =	vand.u32 $0xFFFFFFF0, v63  }
0x3d: {  	v3 =	vor.u32 v3, v4  }
0x3e: {  	v4 =	vperm.xlane v3, v0;
	_ =	sdelay $0x1  }
0x3f: {  	v3 =	vperm.xlane v3, v2;
	v4 =	vadd.s32 v1, v4;
	_ =	sdelay $0x1  }
0x40: {  	v3 =	vadd.s32 v1, v3;
	_ =	sdelay $0x2  }
0x41: {  	[tilespmem:s16], [sflag:$0x1] =	stream.indirect_vreg.gather [hbm4b:s2+s3], $0x80, v4, vm0, $0xb8;
	[tilespmem:$0x5080] =	vst v63  }
0x42: {  	_ = 	snop  }
0x43: {  	[tilespmem:s17], [sflag:$0x1] =	stream.indirect_vreg.gather [hbm4b:s2+s3], $0x80, v3, vm0, $0xb8;
	[tilespmem:$0x5080] =	vst v63  }
0x44: {  	_ =	swait.ge [sflag:s18], $0x5000  }
0x45: {  	p0 =	sne.s32 s6, $0x1;
	[sflag:s18] =	ssyncset.done $0x0  }
.Ltmp0:
0x46: {  	[sflag:s18] =	ssyncadd.s32 $0xFFFFB000;
	(pc) =	sbr.rel @p0 .LBB2_1-.Ltmp0, $4  }
0x47: {  	[hbm4b:s5+s3] =	stream.linear.scatter [tilespmem:s8], [sflag:$0x2], $0x5000, $0x38;
	[tilespmem:$0x5080] =	vst v63  }
0x48: {  	_ =	swait.ge [sflag:s19], $0x5000  }
0x49: {  	[sflag:s19] =	ssyncset.done $0x0  }
0x4a: {  	s6 =	sadd.s32 $0xFFFFFFFF, s6;
	[sflag:s19] =	ssyncadd.s32 $0xFFFFB000  }
0x4b: {  	_ =	sfence.sel $0x180000  }
0x4c: {  	[bflag:$0x0] =	sbarrier.arrive $0xFFFF  }
0x4d: {  	p0 =	sne.s32 s1, $0x0;
	_ =	strace $0x9000004A  }
0x4e: {  	s0 =	sadd.s32 @!p0 $0x100000, s0;
	[bflag:$0x2] =	sbarrier.arrive $0xFFFF  }
0x4f: {  	[sflag:s0] =	ssyncadd.tile.s32 @!p0 $0x1;
	_ =	shalt  }
.Lfunc_end2:
_tile_overlayer_lowered:
.L_overlay_start_2:
0x50: {  	(tag) =	ssettag $0x2  }
0x51: {  	s0 =	rddreg [dreg:$0x0];
	s2 =	stileid.u32  }
0x52: {  	s1 =	rddreg [dreg:$0x1];
	p0 =	sne.s32 s2, $0x0  }
0x53: {  	s3 =	rddreg [dreg:$0x2];
	[bflag:$0x3] =	sbarrier.arrive $0xFFFF;
	s2 =	simm.s32 @!p0 $0x1C03  }
0x54: {  	[timem:s3], [sflag:s2] =	dma.local @!p0 [hbm:s0], s1  }
0x55: {  	s0 =	simm.s32 @!p0 $0x3  }
0x56: {  	_ =	swait.ge @!p0 [sflag:s0], s1  }
0x57: {  	s1 =	ssub.s32 @!p0 $0x0, s1;
	[sflag:s0] =	ssyncset.done @!p0 $0x0  }
0x58: {  	[sflag:s0] =	ssyncadd.s32 @!p0 s1  }
0x59: {  	[bflag:$0x3] =	sbarrier.arrive $0xFFFF  }
0x5a: {  	_ =	shalt  }

// kernel: kernel.9.cloned.1.call-start
scs
__scs_entry_jumppad:
0x0: {  	(pc) =	sbr.rel $0x88, $3  }
0x1: {  	(tag) =	ssettag $0x0;
	lr =	simm.s32 $0x1  }
0x2: {  	[smem:$0x3F9E] =	sst lr;
	_ =	strace $0xD0000000  }
0x3: {  	_ = 	snop  }
0x4: {  	_ = 	snop  }
0x5: {  	_ = 	snop  }
0x6: {  	_ = 	snop  }
0x7: {  	_ = 	snop  }
__scs_overlays_trampoline_lowered:
0x8: {  	[smem:$0x3FAD] =	sst s0  }
0x9: {  	[smem:$0x3FAE] =	sst s1  }
0xa: {  	[smem:$0x3FAF] =	sst s2  }
0xb: {  	[smem:$0x3FB0] =	sst s3  }
0xc: {  	[smem:$0x3FB1] =	sst s4  }
0xd: {  	[smem:$0x3FB2] =	sst s5  }
0xe: {  	[smem:$0x3FB3] =	sst s6  }
0xf: {  	[smem:$0x3FB4] =	sst s7  }
0x10: {  	[smem:$0x3FB5] =	sst s8  }
0x11: {  	[smem:$0x3FB6] =	sst s9;
	s0 =	simm.s32 @!p0 $0x0  }
0x12: {  	s1 =	sld [smem:$0x3F9C];
	s0 =	simm.s32 @p0 $0x1  }
0x13: {  	[smem:$0x3FB7] =	sst s0;
	s0 =	simm.s32 @!p1 $0x0  }
0x14: {  	s2 =	sld [smem:$0x3F9B];
	s0 =	simm.s32 @p1 $0x1  }
0x15: {  	[smem:$0x3FB8] =	sst s0;
	s0 =	simm.s32 @!p2 $0x0  }
0x16: {  	s3 =	sld [smem:$0x3FDB];
	s0 =	simm.s32 @p2 $0x1  }
0x17: {  	s4 =	simm.s32 $0x1BF5;
	[smem:$0x3FBA] =	sst s0  }
0x18: {  	s0 =	sld [smem:$0x3F9D];
	_ =	swait.ge [sflag:s4], $0x0  }
0x19: {  	s7 =	sld [smem:$0x3F9E]  }
0x1a: {  	s8 =	sadd.s32 $0xFFFFE003, lr  }
0x1b: {  	s9 =	sadd.s32 $0xFFFFFEF7, lr;
	s5 =	simm.s32 $0xFFFFFFFF;
	p2 =	slt.u32 s8, $0xFFFFF086  }
0x1c: {  	p1 =	slt.u32 s9, $0xF7A;
	s5 =	simm.s32 @!p2 $0x0  }
0x1d: {  	s5 =	simm.s32 @p1 $0x1;
	p0 =	seq.s32 s7, s2  }
0x1e: {  	s7 =	smul.u32 @!p0 $0xF7A, s2;
	p2 =	seq.s32 @!p0 s5, $0x0  }
0x1f: {  	s9 =	smul.u32 $0xF7A, s1;
	s8 =	simm.s32 @!p0 $0x1BF5;
	p2 =	por !p2, p0  }
0x20: {  	[sflag:s8] =	ssyncset.s32 @!p0 $0xFFFFF086;
	s6 =	sadd.s32 @!p0 s3, s7;
	s7 =	simm.s32 @!p0 $0x108  }
0x21: {  	s3 =	sadd.s32 s3, s9;
	s6 =	sadd.s32 @!p0 $0x88, s6;
	s7 =	simm.s32 @p2 $0x1082  }
0x22: {  	[simem:s7], [sflag:s8] =	dma.local @!p0 [hbm:s6], $0xF7A  }
0x23: {  	s9 =	sor.u32 $0xD0000000, s2;
	s6 =	simm.s32 $0x108;
	_ =	swait.ge @!p0 [sflag:s8], $0x0  }
0x24: {  	s3 =	sadd.s32 $0x88, s3;
	s6 =	simm.s32 @!p1 $0x1082;
	[sflag:s4] =	ssyncset.s32 $0xFFFFF086  }
0x25: {  	[simem:s6], [sflag:s4] =	dma.local [hbm:s3], $0xF7A  }
0x26: {  	[smem:$0x3F9E] =	sst s1;
	(tag) =	ssettag s2;
	_ =	strace s9  }
0x27: {  	s1 =	sld [smem:$0x3FAE]  }
0x28: {  	s2 =	sld [smem:$0x3FAF]  }
0x29: {  	s4 =	sld [smem:$0x3FB1]  }
0x2a: {  	p0 =	seq.s32 s5, $0x0;
	s5 =	sld [smem:$0x3FB2]  }
0x2b: {  	s6 =	sld [smem:$0x3FB3]  }
0x2c: {  	s7 =	sld [smem:$0x3FB4]  }
0x2d: {  	s3 =	simm.s32 $0x108;
	s8 =	sld [smem:$0x3FB5]  }
0x2e: {  	s3 =	simm.s32 @!p0 $0x1082;
	s9 =	sld [smem:$0x3FB6]  }
0x2f: {  	lr =	sadd.s32 s0, s3;
	s0 =	sld [smem:$0x3FAD]  }
0x30: {  	s3 =	sld [smem:$0x3FB0]  }
0x31: {  	[smem:$0x3FB9] =	sst s10  }
0x32: {  	s10 =	sld [smem:$0x3FB7];
	_ =	sdelay $0x3  }
0x33: {  	p0 =	seq.s32 s10, $0x1;
	s10 =	sld [smem:$0x3FB9];
	_ =	sdelay $0x3  }
0x34: {  	[smem:$0x3FB9] =	sst s10  }
0x35: {  	s10 =	sld [smem:$0x3FB8];
	_ =	sdelay $0x3  }
0x36: {  	p1 =	seq.s32 s10, $0x1;
	s10 =	sld [smem:$0x3FB9];
	_ =	sdelay $0x3  }
0x37: {  	[smem:$0x3FB9] =	sst s10  }
0x38: {  	s10 =	sld [smem:$0x3FBA]  }
0x39: {  	_ = 	snop;
	(pc) =	sbr.ind lr, $3  }
0x3a: {  	_ = 	snop  }
0x3b: {  	_ = 	snop  }
0x3c: {  	p2 =	seq.s32 s10, $0x1;
	s10 =	sld [smem:$0x3FB9]  }
0x3d: {  	_ =	shalt  }
0x3e: {  	_ =	shalt  }
0x3f: {  	_ =	shalt  }
0x40: {  	_ =	shalt  }
0x41: {  	_ =	shalt  }
0x42: {  	_ =	shalt  }
0x43: {  	_ =	shalt  }
0x44: {  	_ =	shalt  }
0x45: {  	_ =	shalt  }
0x46: {  	_ =	shalt  }
0x47: {  	_ =	shalt  }
0x48: {  	_ =	shalt  }
0x49: {  	_ =	shalt  }
0x4a: {  	_ =	shalt  }
0x4b: {  	_ =	shalt  }
0x4c: {  	_ =	shalt  }
0x4d: {  	_ =	shalt  }
0x4e: {  	_ =	shalt  }
0x4f: {  	_ =	shalt  }
0x50: {  	_ =	shalt  }
0x51: {  	_ =	shalt  }
0x52: {  	_ =	shalt  }
0x53: {  	_ =	shalt  }
0x54: {  	_ =	shalt  }
0x55: {  	_ =	shalt  }
0x56: {  	_ =	shalt  }
0x57: {  	_ =	shalt  }
0x58: {  	_ =	shalt  }
0x59: {  	_ =	shalt  }
0x5a: {  	_ =	shalt  }
0x5b: {  	_ =	shalt  }
0x5c: {  	_ =	shalt  }
0x5d: {  	_ =	shalt  }
0x5e: {  	_ =	shalt  }
0x5f: {  	_ =	shalt  }
0x60: {  	_ =	shalt  }
0x61: {  	_ =	shalt  }
0x62: {  	_ =	shalt  }
0x63: {  	_ =	shalt  }
0x64: {  	_ =	shalt  }
0x65: {  	_ =	shalt  }
0x66: {  	_ =	shalt  }
0x67: {  	_ =	shalt  }
0x68: {  	_ =	shalt  }
0x69: {  	_ =	shalt  }
0x6a: {  	_ =	shalt  }
0x6b: {  	_ =	shalt  }
0x6c: {  	_ =	shalt  }
0x6d: {  	_ =	shalt  }
0x6e: {  	_ =	shalt  }
0x6f: {  	_ =	shalt  }
0x70: {  	_ =	shalt  }
0x71: {  	_ =	shalt  }
0x72: {  	_ =	shalt  }
0x73: {  	_ =	shalt  }
0x74: {  	_ =	shalt  }
0x75: {  	_ =	shalt  }
0x76: {  	_ =	shalt  }
0x77: {  	_ =	shalt  }
0x78: {  	_ =	shalt  }
0x79: {  	_ =	shalt  }
0x7a: {  	_ =	shalt  }
0x7b: {  	_ =	shalt  }
0x7c: {  	_ =	shalt  }
0x7d: {  	_ =	shalt  }
0x7e: {  	_ =	shalt  }
0x7f: {  	_ =	shalt  }
0x80: {  	_ =	shalt  }
0x81: {  	_ =	shalt  }
0x82: {  	_ =	shalt  }
0x83: {  	_ =	shalt  }
0x84: {  	_ =	shalt  }
0x85: {  	_ =	shalt  }
0x86: {  	_ =	shalt  }
0x87: {  	_ =	shalt  }
.Lfunc_end0:
.L_simem_size_0:
called_computation.1_lowered:
.L_overlay_start_0:
0x88: {  	s2 =	sld [smem:$0x3FD9]  }
0x89: {  	s3 =	sld [smem:$0x3FFE];
	_ =	sdelay $0x1  }
0x8a: {  	s1 =	srdreg.scid  }
0x8b: {  	s0 =	sand.u32 $0x1, s1  }
0x8c: {  	s17 =	sshll.u32 s0, $0xA;
	s2 =	sadd.s32 s3, s2  }
0x8d: {  	s2 =	sadd.s32 s2, s17  }
0x8e: {  	[smem:$0x3FC5] =	sst s2  }
0x8f: {  	_ = 	snop  }
0x90: {  	s2 =	sld [smem:$0x3FC7]  }
0x91: {  	s18 =	sld [smem:$0x3FD0];
	(tm) =	ssettm $0x1  }
0x92: {  	s4 =	sld [smem:$0x3FFB];
	_ =	sdelay $0x3  }
0x93: {  	_ =	strace s4  }
0x94: {  	s4 =	sld [smem:$0x3FFC];
	_ =	sdelay $0x3  }
0x95: {  	_ =	strace s4  }
0x96: {  	s4 =	sld [smem:$0x3FFD];
	_ =	sdelay $0x3  }
0x97: {  	_ =	strace s4  }
0x98: {  	_ =	strace $0x8FFFFFFF  }
0x99: {  	s19 =	sld [smem:$0x3FDB];
	_ =	sdelay $0x1  }
0x9a: {  	s5 =	simm.s32 $_scs_section_size  }
0x9b: {  	s6 =	simm.s32 $_size__tile_overlayer_lowered;
	s7 =	simm.s32 $_tile_overlayer_lowered  }
0x9c: {  	s22 =	simm.s32 $0x1BFF;
	s21 =	sshll.u32 s7, $0x1;
	s4 =	sadd.s32 s5, s19  }
0x9d: {  	s8 =	simm.s32 $0x0;
	s20 =	sshll.u32 s6, $0x1;
	s6 =	sadd.s32 s21, s4  }
0x9e: {  	[timem:s8], [sflag:s22] =	dma.local [hbm:s6], s20  }
0x9f: {  	_ =	swait.ge [sflag:s22], s20  }
0xa0: {  	s5 =	ssub.s32 $0x0, s20;
	[sflag:s22] =	ssyncset.done $0x0  }
0xa1: {  	[sflag:s22] =	ssyncadd.s32 s5;
	_ =	sdelay $0x1  }
0xa2: {  	s23 =	simm.s32 $0x1B8B  }
0xa3: {  	_ =	swait.ge [sflag:s23], $0x1  }
0xa4: {  	[sflag:s23] =	ssyncset.done $0x0  }
0xa5: {  	s25 =	simm.s32 $0x1B8E;
	s24 =	sld [smem:$0x3FFE];
	[sflag:s23] =	ssyncadd.s32 $0xFFFFFFFF  }
0xa6: {  	s26 =	simm.s32 $execute0_lowered;
	[smem:$0x3FD2] =	sst s25  }
0xa7: {  	s6 =	sshll.u32 s26, $0x1;
	_ =	strace $0x80000046;
	[dreg:$0x1] =	wrdreg $0xFFFFFFFF  }
0xa8: {  	s28 =	simm.s32 $_size_execute0_lowered;
	s4 =	sadd.s32 s4, s6;
	[dreg:$0x0] =	wrdreg $0x0  }
0xa9: {  	s6 =	sshll.u32 s28, $0x1;
	[dreg:$0x2] =	wrdreg s4  }
0xaa: {  	[dreg:$0x3] =	wrdreg s6  }
0xab: {  	[dreg:$0x4] =	wrdreg $0xC0  }
0xac: {  	_ =	task [dreg:s8], $0x5FFFF  }
0xad: {  	[dreg:$0x1] =	wrdreg $0xFFFFFFFF  }
0xae: {  	[dreg:$0x0] =	wrdreg $0x60  }
0xaf: {  	[dreg:$0x2] =	wrdreg s2  }
0xb0: {  	[dreg:$0x3] =	wrdreg s18  }
0xb1: {  	[dreg:$0x4] =	wrdreg s24  }
0xb2: {  	[dreg:$0x5] =	wrdreg $0xA  }
0xb3: {  	_ =	task.clear_ibuf [dreg:s8], $0x6FFFF;
	_ =	strace $0x90000046  }
0xb4: {  	s29 =	simm.s32 $0xA;
	_ =	strace $0x80000048  }
0xb5: {  	_ =	swait.ge [sflag:s29], $0x1  }
0xb6: {  	[sflag:s29] =	ssyncadd.s32 $0xFFFFFFFF  }
0xb7: {  	_ =	strace $0x90000048  }
0xb8: {  	_ =	sfence  }
0xb9: {  	s30 =	sld [smem:$0x0];
	_ =	sdelay $0x2  }
0xba: {  	s31 =	sshll.u32 s1, $0xD;
	s1 =	sshrl.u32 s1, $0x2  }
0xbb: {  	s3 =	sand.u32 $0x4000, s31;
	s1 =	sadd.s32 s1, s30  }
0xbc: {  	s0 =	sor.u32 s3, s0;
	s1 =	sshll.u32 s1, $0x11  }
0xbd: {  	s0 =	sor.u32 s1, s0  }
0xbe: {  	s0 =	sadd.s32 $0x8F2B, s0  }
0xbf: {  	[sflag:s0] =	ssyncadd.remote.s32 $0x1  }
0xc0: {  	_ =	sfence.sel $0xFFFF  }
0xc1: {  	[dreg:$0x0] =	wrdreg $0xFFFFFFFF;
	(pc) =	sbr.abs _section_cstart, $3  }
0xc2: {  	[dreg:$0x1] =	wrdreg $0xFFFFFFFF  }
0xc3: {  	_ =	task.clear_ibuf [dreg:s8], $0x2FFFF;
	_ =	strace $0x9FFFFFFF  }
0xc4: {  	(tm) =	ssettm $0x7FFFFFFF  }
0xc5: {  	_ =	shalt  }
tec
execute0_lowered:
.L_overlay_start_1:
0x0: {  	(tag) =	ssettag $0x1  }
0x1: {  	s1 =	rddreg [dreg:$0x0]  }
0x2: {  	s4 =	rddreg [dreg:$0x1]  }
0x3: {  	s5 =	rddreg [dreg:$0x2]  }
0x4: {  	s0 =	rddreg [dreg:$0x3];
	s6 =	srdreg.scid  }
0x5: {  	s2 =	stileid.u32;
	s3 =	simm.s32 $0x0;
	s9 =	simm.s32 $0x880  }
0x6: {  	s10 =	simm.s32 $0x1080;
	s11 =	simm.s32 $0x1880;
	s12 =	simm.s32 $0x2080  }
0x7: {  	s13 =	simm.s32 $0x2880;
	s14 =	simm.s32 $0x3080;
	s15 =	simm.s32 $0x3880  }
0x8: {  	s16 =	simm.s32 $0x1;
	s6 =	sand.u32 $0x1, s6;
	s7 =	sshll.u32 s2, $0x1  }
0x9: {  	s17 =	simm.s32 $0x2;
	[smem:$0x7FF] =	sst s3;
	s7 =	sor.u32 s6, s7  }
0xa: {  	_ =	strace $0x80000047;
	s6 =	ssub.s32 $0x2, s6;
	s8 =	sshll.u32 s7, $0xB  }
0xb: {  	v2 =	vlaneseq.u32;
	s31 =	sshrl.u32 s6, $0x1;
	s7 =	sshll.u32 s7, $0x4;
	s5 =	sadd.s32 s8, s5  }
0xc: {  	vm0 =	vmmov $0xffff;
	v1 =	vshrl.u32 v2, $0x3;
	s6 =	ssub.s32 s6, s31;
	s4 =	sadd.s32 s4, s7;
	s7 =	simm.s32 $0x3  }
0xd: {  	v0 =	vand.u32 $0x7, v2;
	v2 =	vor.u32 $0x8, v2;
	v1 =	vmul.u32 $0x8, v1;
	s8 =	simm.s32 $0x80;
	s5 =	sadd.s32 $0x200, s5;
	s6 =	smax.u32 s6, $0x1  }
.LBB2_1:
0xe: {  	[tilespmem:s3], [sflag:$0x3] =	stream.linear.gather [hbm4b:s4+s3], $0x80, $0x38;
	[tilespmem:$0x4080] =	vst v63  }
0xf: {  	_ =	swait.ge [sflag:s7], $0x80  }
0x10: {  	[sflag:s7] =	ssyncset.done $0x0  }
0x11: {  	[sflag:s7] =	ssyncadd.s32 $0xFFFFFF80  }
0x12: {  	v3 =	vld [tilespmem:$0x0];
	_ =	sdelay $0x4  }
0x13: {  	v4 =	vshll.u32 v3, $0x1  }
0x14: {  	v3 =	vand.u32 $0x7, v3;
	v4 =	vand.u32 $0xFFFFFFF0, v4  }
0x15: {  	v3 =	vor.u32 v3, v4  }
0x16: {  	v4 =	vperm.xlane v3, v0;
	_ =	sdelay $0x1  }
0x17: {  	v3 =	vperm.xlane v3, v2;
	v4 =	vadd.s32 v1, v4;
	_ =	sdelay $0x1  }
0x18: {  	v3 =	vadd.s32 v1, v3;
	_ =	sdelay $0x2  }
0x19: {  	[tilespmem:s8], [sflag:$0x1] =	stream.indirect_vreg.gather [hbm4b:s1+s3], $0x80, v4, vm0, $0xb8;
	[tilespmem:$0x4080] =	vst v63  }
0x1a: {  	_ = 	snop  }
0x1b: {  	[tilespmem:s9], [sflag:$0x1] =	stream.indirect_vreg.gather [hbm4b:s1+s3], $0x80, v3, vm0, $0xb8;
	[tilespmem:$0x4080] =	vst v63  }
0x1c: {  	v3 =	vld [tilespmem:$0x10];
	_ =	sdelay $0x4  }
0x1d: {  	v61 =	vshll.u32 v3, $0x1  }
0x1e: {  	v3 =	vand.u32 $0x7, v3;
	v4 =	vand.u32 $0xFFFFFFF0, v61  }
0x1f: {  	v3 =	vor.u32 v3, v4  }
0x20: {  	v4 =	vperm.xlane v3, v0;
	_ =	sdelay $0x1  }
0x21: {  	v3 =	vperm.xlane v3, v2;
	v4 =	vadd.s32 v1, v4;
	_ =	sdelay $0x1  }
0x22: {  	v3 =	vadd.s32 v1, v3;
	_ =	sdelay $0x2  }
0x23: {  	[tilespmem:s10], [sflag:$0x1] =	stream.indirect_vreg.gather [hbm4b:s1+s3], $0x80, v4, vm0, $0xb8;
	[tilespmem:$0x4080] =	vst v63  }
0x24: {  	_ = 	snop  }
0x25: {  	[tilespmem:s11], [sflag:$0x1] =	stream.indirect_vreg.gather [hbm4b:s1+s3], $0x80, v3, vm0, $0xb8;
	[tilespmem:$0x4080] =	vst v63  }
0x26: {  	v3 =	vld [tilespmem:$0x20];
	_ =	sdelay $0x4  }
0x27: {  	v62 =	vshll.u32 v3, $0x1  }
0x28: {  	v3 =	vand.u32 $0x7, v3;
	v4 =	vand.u32 $0xFFFFFFF0, v62  }
0x29: {  	v3 =	vor.u32 v3, v4  }
0x2a: {  	v4 =	vperm.xlane v3, v0;
	_ =	sdelay $0x1  }
0x2b: {  	v3 =	vperm.xlane v3, v2;
	v4 =	vadd.s32 v1, v4;
	_ =	sdelay $0x1  }
0x2c: {  	v3 =	vadd.s32 v1, v3;
	_ =	sdelay $0x2  }
0x2d: {  	[tilespmem:s12], [sflag:$0x1] =	stream.indirect_vreg.gather [hbm4b:s1+s3], $0x80, v4, vm0, $0xb8;
	[tilespmem:$0x4080] =	vst v63  }
0x2e: {  	_ = 	snop  }
0x2f: {  	[tilespmem:s13], [sflag:$0x1] =	stream.indirect_vreg.gather [hbm4b:s1+s3], $0x80, v3, vm0, $0xb8;
	[tilespmem:$0x4080] =	vst v63  }
0x30: {  	v3 =	vld [tilespmem:$0x30];
	_ =	sdelay $0x4  }
0x31: {  	v63 =	vshll.u32 v3, $0x1  }
0x32: {  	v3 =	vand.u32 $0x7, v3;
	v4 =	vand.u32 $0xFFFFFFF0, v63  }
0x33: {  	v3 =	vor.u32 v3, v4  }
0x34: {  	v4 =	vperm.xlane v3, v0;
	_ =	sdelay $0x1  }
0x35: {  	v3 =	vperm.xlane v3, v2;
	v4 =	vadd.s32 v1, v4;
	_ =	sdelay $0x1  }
0x36: {  	v3 =	vadd.s32 v1, v3;
	_ =	sdelay $0x2  }
0x37: {  	[tilespmem:s14], [sflag:$0x1] =	stream.indirect_vreg.gather [hbm4b:s1+s3], $0x80, v4, vm0, $0xb8;
	[tilespmem:$0x4080] =	vst v63  }
0x38: {  	_ = 	snop  }
0x39: {  	[tilespmem:s15], [sflag:$0x1] =	stream.indirect_vreg.gather [hbm4b:s1+s3], $0x80, v3, vm0, $0xb8;
	[tilespmem:$0x4080] =	vst v63  }
0x3a: {  	_ =	swait.ge [sflag:s16], $0x4000  }
0x3b: {  	p0 =	sne.s32 s6, $0x1;
	[sflag:s16] =	ssyncset.done $0x0  }
.Ltmp0:
0x3c: {  	[sflag:s16] =	ssyncadd.s32 $0xFFFFC000;
	(pc) =	sbr.rel @p0 .LBB2_1-.Ltmp0, $4  }
0x3d: {  	[hbm4b:s5+s3] =	stream.linear.scatter [tilespmem:s8], [sflag:$0x2], $0x4000, $0x38;
	[tilespmem:$0x4080] =	vst v63  }
0x3e: {  	_ =	swait.ge [sflag:s17], $0x4000  }
0x3f: {  	[sflag:s17] =	ssyncset.done $0x0  }
0x40: {  	s6 =	sadd.s32 $0xFFFFFFFF, s6;
	[sflag:s17] =	ssyncadd.s32 $0xFFFFC000  }
0x41: {  	_ =	sfence.sel $0x180000  }
0x42: {  	[bflag:$0x0] =	sbarrier.arrive $0xFFFF  }
0x43: {  	p0 =	sne.s32 s2, $0x0;
	_ =	strace $0x90000047  }
0x44: {  	s0 =	sadd.s32 @!p0 $0x100000, s0;
	[bflag:$0x2] =	sbarrier.arrive $0xFFFF  }
0x45: {  	[sflag:s0] =	ssyncadd.tile.s32 @!p0 $0x1;
	_ =	shalt  }
.Lfunc_end2:
_tile_overlayer_lowered:
.L_overlay_start_2:
0x46: {  	(tag) =	ssettag $0x2  }
0x47: {  	s0 =	rddreg [dreg:$0x0];
	s2 =	stileid.u32  }
0x48: {  	s1 =	rddreg [dreg:$0x1];
	p0 =	sne.s32 s2, $0x0  }
0x49: {  	s3 =	rddreg [dreg:$0x2];
	[bflag:$0x3] =	sbarrier.arrive $0xFFFF;
	s2 =	simm.s32 @!p0 $0x1C03  }
0x4a: {  	[timem:s3], [sflag:s2] =	dma.local @!p0 [hbm:s0], s1  }
0x4b: {  	s0 =	simm.s32 @!p0 $0x3  }
0x4c: {  	_ =	swait.ge @!p0 [sflag:s0], s1  }
0x4d: {  	s1 =	ssub.s32 @!p0 $0x0, s1;
	[sflag:s0] =	ssyncset.done @!p0 $0x0  }
0x4e: {  	[sflag:s0] =	ssyncadd.s32 @!p0 s1  }
0x4f: {  	[bflag:$0x3] =	sbarrier.arrive $0xFFFF  }
0x50: {  	_ =	shalt  }

</sc_bundles>
